<compile_context>
chip_gen: v7x
topology: tpu7x:2x2x1
jax: 0.10.2.dev20260603
libtpu: 0.0.44.dev20260713+nightly
codegen_flags: <defaults>
</compile_context>

<pallas_src>
import functools

import jax
import jax.numpy as jnp
from jax import lax
from jax.experimental import pallas as pl
from jax.experimental.pallas import tpu as pltpu
from jax.experimental.pallas import tpu_sc as plsc

N, K, V = 16384, 64, 1000
BN = 512

_TINY = 1.1754943508222875e-38


def _gumbel_w_block(i):
    rowoff = (jax.lax.broadcasted_iota(jnp.uint32, (BN, 1), 0)
              + jnp.uint32(i * BN)) * jnp.uint32(V)
    col = jax.lax.broadcasted_iota(jnp.uint32, (BN, V), 1)
    c2 = rowoff + col
    k1 = jnp.uint32(0)
    k2 = jnp.uint32(42)
    ks0, ks1, ks2 = k1, k2, k1 ^ k2 ^ jnp.uint32(0x1BD11BDA)
    x0 = jnp.full((BN, V), ks0, jnp.uint32)
    x1 = c2 + ks1

    def rnd(x0, x1, r):
        x0 = x0 + x1
        x1 = (x1 << jnp.uint32(r)) | (x1 >> jnp.uint32(32 - r))
        return x0, x0 ^ x1

    rot_a = (13, 15, 26, 6)
    rot_b = (17, 29, 16, 24)
    for r in rot_a:
        x0, x1 = rnd(x0, x1, r)
    x0, x1 = x0 + ks1, x1 + ks2 + jnp.uint32(1)
    for r in rot_b:
        x0, x1 = rnd(x0, x1, r)
    x0, x1 = x0 + ks2, x1 + ks0 + jnp.uint32(2)
    for r in rot_a:
        x0, x1 = rnd(x0, x1, r)
    x0, x1 = x0 + ks0, x1 + ks1 + jnp.uint32(3)
    for r in rot_b:
        x0, x1 = rnd(x0, x1, r)
    x0, x1 = x0 + ks1, x1 + ks2 + jnp.uint32(4)
    for r in rot_a:
        x0, x1 = rnd(x0, x1, r)
    x0, x1 = x0 + ks2, x1 + ks0 + jnp.uint32(5)

    bits = x0 ^ x1
    fb = (bits >> jnp.uint32(9)) | jnp.uint32(0x3F800000)
    u01 = jax.lax.bitcast_convert_type(fb, jnp.float32) - jnp.float32(1.0)
    u = u01 + jnp.float32(_TINY)
    return -jnp.log(u)


def _tc_body(a_ref, prod_ref, z_ref, kap_ref, g_ref, rho_ref, noi_ref,
             m_ref, e4_ref, gamma_ref, p_ref, A_ref, xn_ref):
    ea = jnp.exp(a_ref[...])
    mm = lax.dot_general(ea, prod_ref[...], (((1,), (1,)), ((), ())),
                         preferred_element_type=jnp.float32)
    A_ref[...] = jnp.log(mm + 1.0)

    u = z_ref[...] + kap_ref[...] * g_ref[...] + gamma_ref[0, 0] * rho_ref[...] + noi_ref[...]

    m32 = m_ref[...]
    planes = [(((m32 >> (8 * k)) & 0xFF)).astype(jnp.bfloat16) for k in range(4)]
    bcat = jnp.concatenate(planes, axis=1)
    mexp = lax.dot_general(bcat, e4_ref[...], (((1,), (0,)), ((), ())),
                           preferred_element_type=jnp.float32)
    m = (mexp != 0)[:, :V]
    xmask = jnp.where(m, u, -jnp.inf)
    xmax = jnp.max(xmask, axis=1, keepdims=True)
    e = jnp.exp(xmask - xmax)
    s = jnp.sum(e, axis=1, keepdims=True)
    p = e / s
    p_ref[...] = p

    w = _gumbel_w_block(pl.program_id(0))
    r = jnp.where(m, (p + 1e-20) / w, 0.0)
    rmax = jnp.max(r, axis=1, keepdims=True)
    ii = lax.broadcasted_iota(jnp.int32, (BN, V), 1)
    idx = jnp.min(jnp.where(r == rmax, ii, jnp.int32(2**30)), axis=1)
    xn_ref[...] = idx[:, None]


VP = 1024
VW = VP // 4
_NW = 32
_RPW = N // _NW
_CH = 128


def _sc_gather(x_it_hbm, adj_hbm, out_hbm, idx_v, rows_v, sem):
    wid = lax.axis_index("s") * 2 + lax.axis_index("c")
    base = wid * _RPW
    for c in range(_RPW // _CH):
        off = base + c * _CH
        pltpu.sync_copy(x_it_hbm.at[pl.ds(off, _CH)], idx_v)
        pltpu.async_copy(adj_hbm.at[idx_v], rows_v, sem).wait()
        pltpu.sync_copy(rows_v, out_hbm.at[pl.ds(off, _CH)])


def _gather_mask(x_it, adj_packed):
    mesh = plsc.VectorSubcoreMesh(core_axis_name="c", subcore_axis_name="s")
    return pl.kernel(
        _sc_gather,
        mesh=mesh,
        out_type=jax.ShapeDtypeStruct((N, VW), jnp.int32),
        scratch_types=[
            pltpu.VMEM((_CH,), jnp.int32),
            pltpu.VMEM((_CH, VW), jnp.int32),
            pltpu.SemaphoreType.DMA,
        ],
    )(x_it, adj_packed)


def kernel(a_ikt, product, Z_j, kappa, G_ijt, rho_jt, noise_v, x_it, adj, gamma_v):
    adj_u8 = jnp.pad(adj, ((0, 0), (0, VP - V))).astype(jnp.uint8)
    adj_packed = lax.bitcast_convert_type(
        adj_u8.reshape(V, VW, 4), jnp.int32)
    mask_w = _gather_mask(x_it, adj_packed)
    rr = jnp.arange(VP, dtype=jnp.int32)[:, None]
    jj = jnp.arange(VP, dtype=jnp.int32)[None, :]
    e4 = (((jj >> 2) == (rr & (VW - 1))) & ((jj & 3) == (rr >> 8))
          ).astype(jnp.bfloat16)

    grid = (N // BN,)
    row_spec = pl.BlockSpec((BN, V), lambda i: (i, 0))
    p, A, xn = pl.pallas_call(
        _tc_body,
        grid=grid,
        in_specs=[
            pl.BlockSpec((BN, K), lambda i: (i, 0)),
            pl.BlockSpec((V, K), lambda i: (0, 0)),
            pl.BlockSpec((1, V), lambda i: (0, 0)),
            pl.BlockSpec((BN, 1), lambda i: (i, 0)),
            row_spec,
            row_spec,
            row_spec,
            pl.BlockSpec((BN, VW), lambda i: (i, 0)),
            pl.BlockSpec((VP, VP), lambda i: (0, 0)),
            pl.BlockSpec((1, 1), lambda i: (0, 0)),
        ],
        out_specs=[
            row_spec,
            row_spec,
            pl.BlockSpec((BN, 1), lambda i: (i, 0)),
        ],
        out_shape=[
            jax.ShapeDtypeStruct((N, V), jnp.float32),
            jax.ShapeDtypeStruct((N, V), jnp.float32),
            jax.ShapeDtypeStruct((N, 1), jnp.int32),
        ],
    )(a_ikt, product, Z_j.reshape(1, V), kappa.reshape(N, 1),
      G_ijt, rho_jt, noise_v, mask_w, e4, gamma_v.reshape(1, 1))
    return p, A, xn.reshape(N)

# --- scband reference (transcript-rebuilt; emitter-appended) ---
"""Pipeline reference for scband-bsav-model-24206435680428 (READ-ONLY COPY).

The authoritative reference and input builder live on the scoring server;
editing this copy changes nothing except your own understanding.
"""

import jax, jax.numpy as jnp
import numpy as np


def masked_softmax(x, mask):
    # Faithful port of MaskedSoftmax.forward: x_masked = x*mask + (1 - 1/mask)
    m = mask.astype(x.dtype)
    x_masked = x * m + (1.0 - 1.0 / m)
    x_max = jnp.max(x_masked, axis=1)
    x_exp = jnp.exp(x - x_max[:, None])
    x_exp = x_exp * m
    return x_exp / jnp.sum(x_exp, axis=1)[:, None]


def setup_inputs(seed: int = 0) -> dict:
    key = jax.random.key(seed)
    ks = jax.random.split(key, 10)
    N, K, V = 16384, 64, 1000
    a_ikt = jax.random.normal(ks[0], (N, K), dtype=jnp.float32)
    product = jax.random.uniform(ks[1], (V, K), dtype=jnp.float32)
    Z_j = jax.random.normal(ks[2], (V,), dtype=jnp.float32)
    kappa = jax.random.uniform(ks[3], (N,), dtype=jnp.float32)
    G_ijt = jax.random.normal(ks[4], (N, V), dtype=jnp.float32)
    rho_jt = jax.random.uniform(ks[5], (N, V), dtype=jnp.float32)
    noise_v = jax.random.normal(ks[6], (N, V), dtype=jnp.float32) * 0.1
    x_it = jax.random.randint(ks[7], (N,), 0, V)
    adj = jax.random.randint(ks[8], (V, V), 0, 2).astype(bool)
    adj = adj.at[jnp.arange(V), jnp.arange(V)].set(True)  # ensure every zone has >=1 neighbor
    gamma_v = jax.random.normal(ks[9], (1,), dtype=jnp.float32)
    return {"a_ikt": a_ikt, "product": product, "Z_j": Z_j, "kappa": kappa,
            "G_ijt": G_ijt, "rho_jt": rho_jt, "noise_v": noise_v,
            "x_it": x_it, "adj": adj, "gamma_v": gamma_v}


def reference(a_ikt, product, Z_j, kappa, G_ijt, rho_jt, noise_v, x_it, adj, gamma_v):
    # AttractionModel.cal_zone_attraction: A_ijt = log(exp(a_ikt) @ product.T + 1)
    A_ijt = jnp.log(jnp.matmul(jnp.exp(a_ikt), product.T) + 1.0)
    # VisitModel.step: u_v = Z_j + kappa * G_ijt + gamma_v * rho_jt + noise_v
    u_v = Z_j[None, :] + kappa[:, None] * G_ijt + gamma_v[0] * rho_jt + noise_v
    # mask_v = graph.adj[x_it] : gather of adjacency rows by current zone
    mask_v = jnp.take(adj, x_it, axis=0)
    p = masked_softmax(u_v, mask_v)
    # pyro.sample Categorical(p) -> gumbel-max categorical sampling on masked log-probs
    logp = jnp.where(mask_v, jnp.log(p + 1e-20), -jnp.inf)
    x_next = jax.random.categorical(jax.random.key(42), logp, axis=-1)
    return p, A_ijt, x_next

if __name__ == "__main__":
    import jax
    _d = setup_inputs()
    print(jax.jit(kernel)(*tuple(_d.values())))

</pallas_src>

<mosaic_0001>
#map = affine_map<(d0, d1) -> (0)>
#map1 = affine_map<(d0, d1) -> (0, 0)>
module attributes {stable_mosaic.version = 14 : i64} {
  func.func @_sc_gather(%arg0: i32, %arg1: i32, %arg2: memref<16384xi32, #tpu.memory_space<hbm>>, %arg3: memref<1000x256xi32, #tpu.memory_space<hbm>>, %arg4: memref<16384x256xi32, #tpu.memory_space<hbm>>, %arg5: memref<128xi32, #tpu.memory_space<vmem>>, %arg6: memref<128x256xi32, #tpu.memory_space<vmem>>, %arg7: memref<!tpu.dma_semaphore, #tpu.memory_space<semaphore_mem>>) attributes {dimension_semantics = [#tpu.dimension_semantics<core_parallel>, #tpu.dimension_semantics<subcore_parallel>], iteration_bounds = array<i64: 2, 16>, scalar_prefetch = 0 : i64, scratch_operands = 3 : i64, tpu.core_type = #tpu.core_type<sc_vector_subcore>, window_params = [{transform_indices = #map}, {transform_indices = #map1}, {transform_indices = #map1}]} {
    %mul3A = arith.constant 2 : i32
    %mul3A_0 = arith.muli %arg1, %mul3A : i32
    %add3A = arith.addi %mul3A_0, %arg0 : i32
    %mul3A_1 = arith.constant 512 : i32
    %mul3A_2 = arith.muli %add3A, %mul3A_1 : i32
    %add3A_3 = arith.constant 0 : i32
    %add3A_4 = arith.addi %mul3A_2, %add3A_3 : i32
    "tpu.region"() ({
      %run_scoped3A = tpu.sem_alloc : memref<!tpu.dma_semaphore, #tpu.memory_space<semaphore_mem>>
      %dma_start3A_33 = tpu.memref_slice %arg2[%add3A_4] : memref<16384xi32, #tpu.memory_space<hbm>> -> memref<128xi32, #tpu.memory_space<hbm>>
      %dma_start3A_34 = tpu.memref_slice %arg2[%add3A_4] : memref<16384xi32, #tpu.memory_space<hbm>> -> memref<128xi32, #tpu.memory_space<hbm>>
      tpu.enqueue_dma source(%dma_start3A_34 : memref<128xi32, #tpu.memory_space<hbm>>) target(%arg5 : memref<128xi32, #tpu.memory_space<vmem>>) target_semaphore(%run_scoped3A : memref<!tpu.dma_semaphore, #tpu.memory_space<semaphore_mem>>)
      %dma_wait3A_35 = tpu.memref_slice %arg2[%add3A_4] : memref<16384xi32, #tpu.memory_space<hbm>> -> memref<128xi32, #tpu.memory_space<hbm>>
      %dma_wait3A_36 = tpu.memref_slice %arg2[%add3A_4] : memref<16384xi32, #tpu.memory_space<hbm>> -> memref<128xi32, #tpu.memory_space<hbm>>
      tpu.wait_dma2 semaphore(%run_scoped3A : memref<!tpu.dma_semaphore, #tpu.memory_space<semaphore_mem>>) src(%dma_wait3A_36 : memref<128xi32, #tpu.memory_space<hbm>>) dst(%arg5 : memref<128xi32, #tpu.memory_space<vmem>>)
      tpu.yield
    }) : () -> ()
    %dma_start3A = arith.constant 0 : i32
    %dma_start3A_5 = arith.constant 0 : i32
    %dma_start3A_6 = tpu.memref_slice %arg3[%dma_start3A, %dma_start3A_5] : memref<1000x256xi32, #tpu.memory_space<hbm>> -> memref<1000x256xi32, #tpu.memory_space<hbm>>
    tpu.enqueue_indirect_dma source(%dma_start3A_6 : memref<1000x256xi32, #tpu.memory_space<hbm>>) target(%arg6 : memref<128x256xi32, #tpu.memory_space<vmem>>) offsets(%arg5 : memref<128xi32, #tpu.memory_space<vmem>>) semaphore(%arg7 : memref<!tpu.dma_semaphore, #tpu.memory_space<semaphore_mem>>)
    %dma_wait3A = arith.constant 0 : i32
    %dma_wait3A_7 = arith.constant 0 : i32
    %dma_wait3A_8 = tpu.memref_slice %arg3[%dma_wait3A, %dma_wait3A_7] : memref<1000x256xi32, #tpu.memory_space<hbm>> -> memref<1000x256xi32, #tpu.memory_space<hbm>>
    tpu.wait_indirect_dma semaphore(%arg7 : memref<!tpu.dma_semaphore, #tpu.memory_space<semaphore_mem>>) src(%dma_wait3A_8 : memref<1000x256xi32, #tpu.memory_space<hbm>>) dst(%arg6 : memref<128x256xi32, #tpu.memory_space<vmem>>)
    "tpu.region"() ({
      %run_scoped3A = tpu.sem_alloc : memref<!tpu.dma_semaphore, #tpu.memory_space<semaphore_mem>>
      %dma_start3A_33 = arith.constant 0 : i32
      %dma_start3A_34 = tpu.memref_slice %arg4[%add3A_4, %dma_start3A_33] : memref<16384x256xi32, #tpu.memory_space<hbm>> -> memref<128x256xi32, #tpu.memory_space<hbm>>
      %dma_start3A_35 = arith.constant 0 : i32
      %dma_start3A_36 = tpu.memref_slice %arg4[%add3A_4, %dma_start3A_35] : memref<16384x256xi32, #tpu.memory_space<hbm>> -> memref<128x256xi32, #tpu.memory_space<hbm>>
      tpu.enqueue_dma source(%arg6 : memref<128x256xi32, #tpu.memory_space<vmem>>) target(%dma_start3A_36 : memref<128x256xi32, #tpu.memory_space<hbm>>) target_semaphore(%run_scoped3A : memref<!tpu.dma_semaphore, #tpu.memory_space<semaphore_mem>>)
      %dma_wait3A_37 = arith.constant 0 : i32
      %dma_wait3A_38 = tpu.memref_slice %arg4[%add3A_4, %dma_wait3A_37] : memref<16384x256xi32, #tpu.memory_space<hbm>> -> memref<128x256xi32, #tpu.memory_space<hbm>>
      %dma_wait3A_39 = arith.constant 0 : i32
      %dma_wait3A_40 = tpu.memref_slice %arg4[%add3A_4, %dma_wait3A_39] : memref<16384x256xi32, #tpu.memory_space<hbm>> -> memref<128x256xi32, #tpu.memory_space<hbm>>
      tpu.wait_dma2 semaphore(%run_scoped3A : memref<!tpu.dma_semaphore, #tpu.memory_space<semaphore_mem>>) src(%arg6 : memref<128x256xi32, #tpu.memory_space<vmem>>) dst(%dma_wait3A_40 : memref<128x256xi32, #tpu.memory_space<hbm>>)
      tpu.yield
    }) : () -> ()
    %add3A_9 = arith.constant 128 : i32
    %add3A_10 = arith.addi %mul3A_2, %add3A_9 : i32
    "tpu.region"() ({
      %run_scoped3A = tpu.sem_alloc : memref<!tpu.dma_semaphore, #tpu.memory_space<semaphore_mem>>
      %dma_start3A_33 = tpu.memref_slice %arg2[%add3A_10] : memref<16384xi32, #tpu.memory_space<hbm>> -> memref<128xi32, #tpu.memory_space<hbm>>
      %dma_start3A_34 = tpu.memref_slice %arg2[%add3A_10] : memref<16384xi32, #tpu.memory_space<hbm>> -> memref<128xi32, #tpu.memory_space<hbm>>
      tpu.enqueue_dma source(%dma_start3A_34 : memref<128xi32, #tpu.memory_space<hbm>>) target(%arg5 : memref<128xi32, #tpu.memory_space<vmem>>) target_semaphore(%run_scoped3A : memref<!tpu.dma_semaphore, #tpu.memory_space<semaphore_mem>>)
      %dma_wait3A_35 = tpu.memref_slice %arg2[%add3A_10] : memref<16384xi32, #tpu.memory_space<hbm>> -> memref<128xi32, #tpu.memory_space<hbm>>
      %dma_wait3A_36 = tpu.memref_slice %arg2[%add3A_10] : memref<16384xi32, #tpu.memory_space<hbm>> -> memref<128xi32, #tpu.memory_space<hbm>>
      tpu.wait_dma2 semaphore(%run_scoped3A : memref<!tpu.dma_semaphore, #tpu.memory_space<semaphore_mem>>) src(%dma_wait3A_36 : memref<128xi32, #tpu.memory_space<hbm>>) dst(%arg5 : memref<128xi32, #tpu.memory_space<vmem>>)
      tpu.yield
    }) : () -> ()
    %dma_start3A_11 = arith.constant 0 : i32
    %dma_start3A_12 = arith.constant 0 : i32
    %dma_start3A_13 = tpu.memref_slice %arg3[%dma_start3A_11, %dma_start3A_12] : memref<1000x256xi32, #tpu.memory_space<hbm>> -> memref<1000x256xi32, #tpu.memory_space<hbm>>
    tpu.enqueue_indirect_dma source(%dma_start3A_13 : memref<1000x256xi32, #tpu.memory_space<hbm>>) target(%arg6 : memref<128x256xi32, #tpu.memory_space<vmem>>) offsets(%arg5 : memref<128xi32, #tpu.memory_space<vmem>>) semaphore(%arg7 : memref<!tpu.dma_semaphore, #tpu.memory_space<semaphore_mem>>)
    %dma_wait3A_14 = arith.constant 0 : i32
    %dma_wait3A_15 = arith.constant 0 : i32
    %dma_wait3A_16 = tpu.memref_slice %arg3[%dma_wait3A_14, %dma_wait3A_15] : memref<1000x256xi32, #tpu.memory_space<hbm>> -> memref<1000x256xi32, #tpu.memory_space<hbm>>
    tpu.wait_indirect_dma semaphore(%arg7 : memref<!tpu.dma_semaphore, #tpu.memory_space<semaphore_mem>>) src(%dma_wait3A_16 : memref<1000x256xi32, #tpu.memory_space<hbm>>) dst(%arg6 : memref<128x256xi32, #tpu.memory_space<vmem>>)
    "tpu.region"() ({
      %run_scoped3A = tpu.sem_alloc : memref<!tpu.dma_semaphore, #tpu.memory_space<semaphore_mem>>
      %dma_start3A_33 = arith.constant 0 : i32
      %dma_start3A_34 = tpu.memref_slice %arg4[%add3A_10, %dma_start3A_33] : memref<16384x256xi32, #tpu.memory_space<hbm>> -> memref<128x256xi32, #tpu.memory_space<hbm>>
      %dma_start3A_35 = arith.constant 0 : i32
      %dma_start3A_36 = tpu.memref_slice %arg4[%add3A_10, %dma_start3A_35] : memref<16384x256xi32, #tpu.memory_space<hbm>> -> memref<128x256xi32, #tpu.memory_space<hbm>>
      tpu.enqueue_dma source(%arg6 : memref<128x256xi32, #tpu.memory_space<vmem>>) target(%dma_start3A_36 : memref<128x256xi32, #tpu.memory_space<hbm>>) target_semaphore(%run_scoped3A : memref<!tpu.dma_semaphore, #tpu.memory_space<semaphore_mem>>)
      %dma_wait3A_37 = arith.constant 0 : i32
      %dma_wait3A_38 = tpu.memref_slice %arg4[%add3A_10, %dma_wait3A_37] : memref<16384x256xi32, #tpu.memory_space<hbm>> -> memref<128x256xi32, #tpu.memory_space<hbm>>
      %dma_wait3A_39 = arith.constant 0 : i32
      %dma_wait3A_40 = tpu.memref_slice %arg4[%add3A_10, %dma_wait3A_39] : memref<16384x256xi32, #tpu.memory_space<hbm>> -> memref<128x256xi32, #tpu.memory_space<hbm>>
      tpu.wait_dma2 semaphore(%run_scoped3A : memref<!tpu.dma_semaphore, #tpu.memory_space<semaphore_mem>>) src(%arg6 : memref<128x256xi32, #tpu.memory_space<vmem>>) dst(%dma_wait3A_40 : memref<128x256xi32, #tpu.memory_space<hbm>>)
      tpu.yield
    }) : () -> ()
    %add3A_17 = arith.constant 256 : i32
    %add3A_18 = arith.addi %mul3A_2, %add3A_17 : i32
    "tpu.region"() ({
      %run_scoped3A = tpu.sem_alloc : memref<!tpu.dma_semaphore, #tpu.memory_space<semaphore_mem>>
      %dma_start3A_33 = tpu.memref_slice %arg2[%add3A_18] : memref<16384xi32, #tpu.memory_space<hbm>> -> memref<128xi32, #tpu.memory_space<hbm>>
      %dma_start3A_34 = tpu.memref_slice %arg2[%add3A_18] : memref<16384xi32, #tpu.memory_space<hbm>> -> memref<128xi32, #tpu.memory_space<hbm>>
      tpu.enqueue_dma source(%dma_start3A_34 : memref<128xi32, #tpu.memory_space<hbm>>) target(%arg5 : memref<128xi32, #tpu.memory_space<vmem>>) target_semaphore(%run_scoped3A : memref<!tpu.dma_semaphore, #tpu.memory_space<semaphore_mem>>)
      %dma_wait3A_35 = tpu.memref_slice %arg2[%add3A_18] : memref<16384xi32, #tpu.memory_space<hbm>> -> memref<128xi32, #tpu.memory_space<hbm>>
      %dma_wait3A_36 = tpu.memref_slice %arg2[%add3A_18] : memref<16384xi32, #tpu.memory_space<hbm>> -> memref<128xi32, #tpu.memory_space<hbm>>
      tpu.wait_dma2 semaphore(%run_scoped3A : memref<!tpu.dma_semaphore, #tpu.memory_space<semaphore_mem>>) src(%dma_wait3A_36 : memref<128xi32, #tpu.memory_space<hbm>>) dst(%arg5 : memref<128xi32, #tpu.memory_space<vmem>>)
      tpu.yield
    }) : () -> ()
    %dma_start3A_19 = arith.constant 0 : i32
    %dma_start3A_20 = arith.constant 0 : i32
    %dma_start3A_21 = tpu.memref_slice %arg3[%dma_start3A_19, %dma_start3A_20] : memref<1000x256xi32, #tpu.memory_space<hbm>> -> memref<1000x256xi32, #tpu.memory_space<hbm>>
    tpu.enqueue_indirect_dma source(%dma_start3A_21 : memref<1000x256xi32, #tpu.memory_space<hbm>>) target(%arg6 : memref<128x256xi32, #tpu.memory_space<vmem>>) offsets(%arg5 : memref<128xi32, #tpu.memory_space<vmem>>) semaphore(%arg7 : memref<!tpu.dma_semaphore, #tpu.memory_space<semaphore_mem>>)
    %dma_wait3A_22 = arith.constant 0 : i32
    %dma_wait3A_23 = arith.constant 0 : i32
    %dma_wait3A_24 = tpu.memref_slice %arg3[%dma_wait3A_22, %dma_wait3A_23] : memref<1000x256xi32, #tpu.memory_space<hbm>> -> memref<1000x256xi32, #tpu.memory_space<hbm>>
    tpu.wait_indirect_dma semaphore(%arg7 : memref<!tpu.dma_semaphore, #tpu.memory_space<semaphore_mem>>) src(%dma_wait3A_24 : memref<1000x256xi32, #tpu.memory_space<hbm>>) dst(%arg6 : memref<128x256xi32, #tpu.memory_space<vmem>>)
    "tpu.region"() ({
      %run_scoped3A = tpu.sem_alloc : memref<!tpu.dma_semaphore, #tpu.memory_space<semaphore_mem>>
      %dma_start3A_33 = arith.constant 0 : i32
      %dma_start3A_34 = tpu.memref_slice %arg4[%add3A_18, %dma_start3A_33] : memref<16384x256xi32, #tpu.memory_space<hbm>> -> memref<128x256xi32, #tpu.memory_space<hbm>>
      %dma_start3A_35 = arith.constant 0 : i32
      %dma_start3A_36 = tpu.memref_slice %arg4[%add3A_18, %dma_start3A_35] : memref<16384x256xi32, #tpu.memory_space<hbm>> -> memref<128x256xi32, #tpu.memory_space<hbm>>
      tpu.enqueue_dma source(%arg6 : memref<128x256xi32, #tpu.memory_space<vmem>>) target(%dma_start3A_36 : memref<128x256xi32, #tpu.memory_space<hbm>>) target_semaphore(%run_scoped3A : memref<!tpu.dma_semaphore, #tpu.memory_space<semaphore_mem>>)
      %dma_wait3A_37 = arith.constant 0 : i32
      %dma_wait3A_38 = tpu.memref_slice %arg4[%add3A_18, %dma_wait3A_37] : memref<16384x256xi32, #tpu.memory_space<hbm>> -> memref<128x256xi32, #tpu.memory_space<hbm>>
      %dma_wait3A_39 = arith.constant 0 : i32
      %dma_wait3A_40 = tpu.memref_slice %arg4[%add3A_18, %dma_wait3A_39] : memref<16384x256xi32, #tpu.memory_space<hbm>> -> memref<128x256xi32, #tpu.memory_space<hbm>>
      tpu.wait_dma2 semaphore(%run_scoped3A : memref<!tpu.dma_semaphore, #tpu.memory_space<semaphore_mem>>) src(%arg6 : memref<128x256xi32, #tpu.memory_space<vmem>>) dst(%dma_wait3A_40 : memref<128x256xi32, #tpu.memory_space<hbm>>)
      tpu.yield
    }) : () -> ()
    %add3A_25 = arith.constant 384 : i32
    %add3A_26 = arith.addi %mul3A_2, %add3A_25 : i32
    "tpu.region"() ({
      %run_scoped3A = tpu.sem_alloc : memref<!tpu.dma_semaphore, #tpu.memory_space<semaphore_mem>>
      %dma_start3A_33 = tpu.memref_slice %arg2[%add3A_26] : memref<16384xi32, #tpu.memory_space<hbm>> -> memref<128xi32, #tpu.memory_space<hbm>>
      %dma_start3A_34 = tpu.memref_slice %arg2[%add3A_26] : memref<16384xi32, #tpu.memory_space<hbm>> -> memref<128xi32, #tpu.memory_space<hbm>>
      tpu.enqueue_dma source(%dma_start3A_34 : memref<128xi32, #tpu.memory_space<hbm>>) target(%arg5 : memref<128xi32, #tpu.memory_space<vmem>>) target_semaphore(%run_scoped3A : memref<!tpu.dma_semaphore, #tpu.memory_space<semaphore_mem>>)
      %dma_wait3A_35 = tpu.memref_slice %arg2[%add3A_26] : memref<16384xi32, #tpu.memory_space<hbm>> -> memref<128xi32, #tpu.memory_space<hbm>>
      %dma_wait3A_36 = tpu.memref_slice %arg2[%add3A_26] : memref<16384xi32, #tpu.memory_space<hbm>> -> memref<128xi32, #tpu.memory_space<hbm>>
      tpu.wait_dma2 semaphore(%run_scoped3A : memref<!tpu.dma_semaphore, #tpu.memory_space<semaphore_mem>>) src(%dma_wait3A_36 : memref<128xi32, #tpu.memory_space<hbm>>) dst(%arg5 : memref<128xi32, #tpu.memory_space<vmem>>)
      tpu.yield
    }) : () -> ()
    %dma_start3A_27 = arith.constant 0 : i32
    %dma_start3A_28 = arith.constant 0 : i32
    %dma_start3A_29 = tpu.memref_slice %arg3[%dma_start3A_27, %dma_start3A_28] : memref<1000x256xi32, #tpu.memory_space<hbm>> -> memref<1000x256xi32, #tpu.memory_space<hbm>>
    tpu.enqueue_indirect_dma source(%dma_start3A_29 : memref<1000x256xi32, #tpu.memory_space<hbm>>) target(%arg6 : memref<128x256xi32, #tpu.memory_space<vmem>>) offsets(%arg5 : memref<128xi32, #tpu.memory_space<vmem>>) semaphore(%arg7 : memref<!tpu.dma_semaphore, #tpu.memory_space<semaphore_mem>>)
    %dma_wait3A_30 = arith.constant 0 : i32
    %dma_wait3A_31 = arith.constant 0 : i32
    %dma_wait3A_32 = tpu.memref_slice %arg3[%dma_wait3A_30, %dma_wait3A_31] : memref<1000x256xi32, #tpu.memory_space<hbm>> -> memref<1000x256xi32, #tpu.memory_space<hbm>>
    tpu.wait_indirect_dma semaphore(%arg7 : memref<!tpu.dma_semaphore, #tpu.memory_space<semaphore_mem>>) src(%dma_wait3A_32 : memref<1000x256xi32, #tpu.memory_space<hbm>>) dst(%arg6 : memref<128x256xi32, #tpu.memory_space<vmem>>)
    "tpu.region"() ({
      %run_scoped3A = tpu.sem_alloc : memref<!tpu.dma_semaphore, #tpu.memory_space<semaphore_mem>>
      %dma_start3A_33 = arith.constant 0 : i32
      %dma_start3A_34 = tpu.memref_slice %arg4[%add3A_26, %dma_start3A_33] : memref<16384x256xi32, #tpu.memory_space<hbm>> -> memref<128x256xi32, #tpu.memory_space<hbm>>
      %dma_start3A_35 = arith.constant 0 : i32
      %dma_start3A_36 = tpu.memref_slice %arg4[%add3A_26, %dma_start3A_35] : memref<16384x256xi32, #tpu.memory_space<hbm>> -> memref<128x256xi32, #tpu.memory_space<hbm>>
      tpu.enqueue_dma source(%arg6 : memref<128x256xi32, #tpu.memory_space<vmem>>) target(%dma_start3A_36 : memref<128x256xi32, #tpu.memory_space<hbm>>) target_semaphore(%run_scoped3A : memref<!tpu.dma_semaphore, #tpu.memory_space<semaphore_mem>>)
      %dma_wait3A_37 = arith.constant 0 : i32
      %dma_wait3A_38 = tpu.memref_slice %arg4[%add3A_26, %dma_wait3A_37] : memref<16384x256xi32, #tpu.memory_space<hbm>> -> memref<128x256xi32, #tpu.memory_space<hbm>>
      %dma_wait3A_39 = arith.constant 0 : i32
      %dma_wait3A_40 = tpu.memref_slice %arg4[%add3A_26, %dma_wait3A_39] : memref<16384x256xi32, #tpu.memory_space<hbm>> -> memref<128x256xi32, #tpu.memory_space<hbm>>
      tpu.wait_dma2 semaphore(%run_scoped3A : memref<!tpu.dma_semaphore, #tpu.memory_space<semaphore_mem>>) src(%arg6 : memref<128x256xi32, #tpu.memory_space<vmem>>) dst(%dma_wait3A_40 : memref<128x256xi32, #tpu.memory_space<hbm>>)
      tpu.yield
    }) : () -> ()
    return
  }
}

module attributes {stable_mosaic.version = 14 : i64} {
  func.func @_tc_body(%arg0: i32, %arg1: memref<512x64xf32, #tpu.memory_space<vmem>>, %arg2: memref<1000x64xf32, #tpu.memory_space<vmem>>, %arg3: memref<1x1000xf32, #tpu.memory_space<vmem>>, %arg4: memref<512x1xf32, #tpu.memory_space<vmem>>, %arg5: memref<512x1000xf32, #tpu.memory_space<vmem>>, %arg6: memref<512x1000xf32, #tpu.memory_space<vmem>>, %arg7: memref<512x1000xf32, #tpu.memory_space<vmem>>, %arg8: memref<512x256xi32, #tpu.memory_space<vmem>>, %arg9: memref<1024x1024xbf16, #tpu.memory_space<vmem>>, %arg10: memref<1x1xf32, #tpu.memory_space<vmem>>, %arg11: memref<512x1000xf32, #tpu.memory_space<vmem>>, %arg12: memref<512x1000xf32, #tpu.memory_space<vmem>>, %arg13: memref<512x1xi32, #tpu.memory_space<vmem>>) attributes {dimension_semantics = [#tpu.dimension_semantics<arbitrary>], iteration_bounds = array<i64: 32>, scalar_prefetch = 0 : i64, scratch_operands = 0 : i64, tpu.core_type = #tpu.core_type<tc>, window_params = [{transform_indices = @transform_0, window_bounds = array<i64: 512, 64>}, {pipeline_mode = #tpu.pipeline_mode<synchronous>, transform_indices = @transform_1, window_bounds = array<i64: 1000, 64>}, {pipeline_mode = #tpu.pipeline_mode<synchronous>, transform_indices = @transform_2, window_bounds = array<i64: 1, 1000>}, {transform_indices = @transform_3, window_bounds = array<i64: 512, 1>}, {transform_indices = @transform_4, window_bounds = array<i64: 512, 1000>}, {transform_indices = @transform_5, window_bounds = array<i64: 512, 1000>}, {transform_indices = @transform_6, window_bounds = array<i64: 512, 1000>}, {transform_indices = @transform_7, window_bounds = array<i64: 512, 256>}, {pipeline_mode = #tpu.pipeline_mode<synchronous>, transform_indices = @transform_8, window_bounds = array<i64: 1024, 1024>}, {pipeline_mode = #tpu.pipeline_mode<synchronous>, transform_indices = @transform_9, window_bounds = array<i64: 1, 1>}, {transform_indices = @transform_10, window_bounds = array<i64: 512, 1000>}, {transform_indices = @transform_11, window_bounds = array<i64: 512, 1000>}, {transform_indices = @transform_12, window_bounds = array<i64: 512, 1>}]} {
    %get3A = arith.constant 0 : index
    %get3A_0 = arith.constant 0 : index
    %get3A_1 = vector.load %arg1[%get3A, %get3A_0] : memref<512x64xf32, #tpu.memory_space<vmem>>, vector<512x64xf32>
    %exp3A = math.exp %get3A_1 : vector<512x64xf32>
    %get3A_2 = arith.constant 0 : index
    %get3A_3 = arith.constant 0 : index
    %get3A_4 = vector.load %arg2[%get3A_2, %get3A_3] : memref<1000x64xf32, #tpu.memory_space<vmem>>, vector<1000x64xf32>
    %dot_general3A = arith.constant dense<0.000000e+00> : vector<512x1000xf32>
    %dot_general3A_5 = tpu.matmul %exp3A, %get3A_4, %dot_general3A {dimension_numbers = #tpu.dot_dimension_numbers<[1], [1], [0], [0], [0, 0, 1, 0], [], []>, transpose_lhs_hint = false} : vector<512x64xf32>, vector<1000x64xf32>, vector<512x1000xf32> -> vector<512x1000xf32>
    %add3A = arith.constant 1.000000e+00 : f32
    %add3A_6 = vector.broadcast %add3A : f32 to vector<512x1000xf32>
    %add3A_7 = arith.addf %dot_general3A_5, %add3A_6 : vector<512x1000xf32>
    %log3A = math.log %add3A_7 : vector<512x1000xf32>
    %swap3A = arith.constant 0 : index
    %swap3A_8 = arith.constant 0 : index
    %swap3A_9 = vector.load %arg12[%swap3A, %swap3A_8] : memref<512x1000xf32, #tpu.memory_space<vmem>>, vector<512x1000xf32>
    tpu.vector_store %arg12[%swap3A, %swap3A_8], %log3A {strides = array<i32>} : memref<512x1000xf32, #tpu.memory_space<vmem>>, vector<512x1000xf32>,
    %get3A_10 = arith.constant 0 : index
    %get3A_11 = arith.constant 0 : index
    %get3A_12 = vector.load %arg3[%get3A_10, %get3A_11] : memref<1x1000xf32, #tpu.memory_space<vmem>>, vector<1x1000xf32>
    %get3A_13 = arith.constant 0 : index
    %get3A_14 = arith.constant 0 : index
    %get3A_15 = vector.load %arg4[%get3A_13, %get3A_14] : memref<512x1xf32, #tpu.memory_space<vmem>>, vector<512x1xf32>
    %get3A_16 = arith.constant 0 : index
    %get3A_17 = arith.constant 0 : index
    %get3A_18 = vector.load %arg5[%get3A_16, %get3A_17] : memref<512x1000xf32, #tpu.memory_space<vmem>>, vector<512x1000xf32>
    %mul3A = vector.broadcast %get3A_15 : vector<512x1xf32> to vector<512x1000xf32>
    %mul3A_19 = arith.mulf %mul3A, %get3A_18 : vector<512x1000xf32>
    %add3A_20 = vector.broadcast %get3A_12 : vector<1x1000xf32> to vector<512x1000xf32>
    %add3A_21 = arith.addf %add3A_20, %mul3A_19 : vector<512x1000xf32>
    %get3A_22 = arith.constant 0 : index
    %get3A_23 = arith.constant 0 : index
    %get3A_24 = vector.load %arg10[%get3A_22, %get3A_23] : memref<1x1xf32, #tpu.memory_space<vmem>>, vector<1x1xf32>
    %get3A_25 = vector.extract %get3A_24[0, 0] : f32 from vector<1x1xf32>
    %get3A_26 = arith.constant 0 : index
    %get3A_27 = arith.constant 0 : index
    %get3A_28 = vector.load %arg6[%get3A_26, %get3A_27] : memref<512x1000xf32, #tpu.memory_space<vmem>>, vector<512x1000xf32>
    %mul3A_29 = vector.broadcast %get3A_25 : f32 to vector<512x1000xf32>
    %mul3A_30 = arith.mulf %mul3A_29, %get3A_28 : vector<512x1000xf32>
    %add3A_31 = arith.addf %add3A_21, %mul3A_30 : vector<512x1000xf32>
    %get3A_32 = arith.constant 0 : index
    %get3A_33 = arith.constant 0 : index
    %get3A_34 = vector.load %arg7[%get3A_32, %get3A_33] : memref<512x1000xf32, #tpu.memory_space<vmem>>, vector<512x1000xf32>
    %add3A_35 = arith.addf %add3A_31, %get3A_34 : vector<512x1000xf32>
    %get3A_36 = arith.constant 0 : index
    %get3A_37 = arith.constant 0 : index
    %get3A_38 = vector.load %arg8[%get3A_36, %get3A_37] : memref<512x256xi32, #tpu.memory_space<vmem>>, vector<512x256xi32>
    %shift_right_arithmetic3A = arith.constant 0 : i32
    %shift_right_arithmetic3A_39 = vector.broadcast %shift_right_arithmetic3A : i32 to vector<512x256xi32>
    %shift_right_arithmetic3A_40 = arith.shrsi %get3A_38, %shift_right_arithmetic3A_39 : vector<512x256xi32>
    %and3A = arith.constant 255 : i32
    %and3A_41 = vector.broadcast %and3A : i32 to vector<512x256xi32>
    %and3A_42 = arith.andi %shift_right_arithmetic3A_40, %and3A_41 : vector<512x256xi32>
    %convert_element_type3A = arith.sitofp %and3A_42 : vector<512x256xi32> to vector<512x256xbf16>
    %shift_right_arithmetic3A_43 = arith.constant 8 : i32
    %shift_right_arithmetic3A_44 = vector.broadcast %shift_right_arithmetic3A_43 : i32 to vector<512x256xi32>
    %shift_right_arithmetic3A_45 = arith.shrsi %get3A_38, %shift_right_arithmetic3A_44 : vector<512x256xi32>
    %and3A_46 = arith.constant 255 : i32
    %and3A_47 = vector.broadcast %and3A_46 : i32 to vector<512x256xi32>
    %and3A_48 = arith.andi %shift_right_arithmetic3A_45, %and3A_47 : vector<512x256xi32>
    %convert_element_type3A_49 = arith.sitofp %and3A_48 : vector<512x256xi32> to vector<512x256xbf16>
    %shift_right_arithmetic3A_50 = arith.constant 16 : i32
    %shift_right_arithmetic3A_51 = vector.broadcast %shift_right_arithmetic3A_50 : i32 to vector<512x256xi32>
    %shift_right_arithmetic3A_52 = arith.shrsi %get3A_38, %shift_right_arithmetic3A_51 : vector<512x256xi32>
    %and3A_53 = arith.constant 255 : i32
    %and3A_54 = vector.broadcast %and3A_53 : i32 to vector<512x256xi32>
    %and3A_55 = arith.andi %shift_right_arithmetic3A_52, %and3A_54 : vector<512x256xi32>
    %convert_element_type3A_56 = arith.sitofp %and3A_55 : vector<512x256xi32> to vector<512x256xbf16>
    %shift_right_arithmetic3A_57 = arith.constant 24 : i32
    %shift_right_arithmetic3A_58 = vector.broadcast %shift_right_arithmetic3A_57 : i32 to vector<512x256xi32>
    %shift_right_arithmetic3A_59 = arith.shrsi %get3A_38, %shift_right_arithmetic3A_58 : vector<512x256xi32>
    %and3A_60 = arith.constant 255 : i32
    %and3A_61 = vector.broadcast %and3A_60 : i32 to vector<512x256xi32>
    %and3A_62 = arith.andi %shift_right_arithmetic3A_59, %and3A_61 : vector<512x256xi32>
    %convert_element_type3A_63 = arith.sitofp %and3A_62 : vector<512x256xi32> to vector<512x256xbf16>
    %concatenate3A = tpu.concatenate %convert_element_type3A, %convert_element_type3A_49, %convert_element_type3A_56, %convert_element_type3A_63 in 1 : vector<512x256xbf16>, vector<512x256xbf16>, vector<512x256xbf16>, vector<512x256xbf16> -> vector<512x1024xbf16>
    %get3A_64 = arith.constant 0 : index
    %get3A_65 = arith.constant 0 : index
    %get3A_66 = vector.load %arg9[%get3A_64, %get3A_65] : memref<1024x1024xbf16, #tpu.memory_space<vmem>>, vector<1024x1024xbf16>
    %dot_general3A_67 = arith.constant dense<0.000000e+00> : vector<512x1024xf32>
    %dot_general3A_68 = tpu.matmul %concatenate3A, %get3A_66, %dot_general3A_67 {dimension_numbers = #tpu.dot_dimension_numbers<[1], [0], [0], [1], [0, 0, 1, 1], [], []>, transpose_lhs_hint = false} : vector<512x1024xbf16>, vector<1024x1024xbf16>, vector<512x1024xf32> -> vector<512x1024xf32>
    %ne3A = arith.constant 0.000000e+00 : f32
    %ne3A_69 = vector.broadcast %ne3A : f32 to vector<512x1024xf32>
    %ne3A_70 = arith.cmpf one, %dot_general3A_68, %ne3A_69 : vector<512x1024xf32>
    %slice3A = vector.extract_strided_slice %ne3A_70 {offsets = [0, 0], sizes = [512, 1000], strides = [1, 1]} : vector<512x1024xi1> to vector<512x1000xi1>
    %jit3A = arith.constant 0xFF800000 : f32
    %broadcast_in_dim3A = vector.broadcast %jit3A : f32 to vector<512x1000xf32>
    %select_n3A = arith.select %slice3A, %add3A_35, %broadcast_in_dim3A : vector<512x1000xi1>, vector<512x1000xf32>
    %reduce_max3A = arith.constant dense<0xFF800000> : vector<512xf32>
    %reduce_max3A_71 = vector.multi_reduction <maximumf>, %select_n3A, %reduce_max3A [1] : vector<512x1000xf32> to vector<512xf32>
    %broadcast_in_dim3A_72 = vector.shape_cast %reduce_max3A_71 : vector<512xf32> to vector<512x1xf32>
    %sub3A = vector.broadcast %broadcast_in_dim3A_72 : vector<512x1xf32> to vector<512x1000xf32>
    %sub3A_73 = arith.subf %select_n3A, %sub3A : vector<512x1000xf32>
    %exp3A_74 = math.exp %sub3A_73 : vector<512x1000xf32>
    %reduce_sum3A = arith.constant dense<0.000000e+00> : vector<512xf32>
    %reduce_sum3A_75 = vector.multi_reduction <add>, %exp3A_74, %reduce_sum3A [1] : vector<512x1000xf32> to vector<512xf32>
    %broadcast_in_dim3A_76 = vector.shape_cast %reduce_sum3A_75 : vector<512xf32> to vector<512x1xf32>
    %div3A = vector.broadcast %broadcast_in_dim3A_76 : vector<512x1xf32> to vector<512x1000xf32>
    %div3A_77 = arith.divf %exp3A_74, %div3A : vector<512x1000xf32>
    %swap3A_78 = arith.constant 0 : index
    %swap3A_79 = arith.constant 0 : index
    %swap3A_80 = vector.load %arg11[%swap3A_78, %swap3A_79] : memref<512x1000xf32, #tpu.memory_space<vmem>>, vector<512x1000xf32>
    tpu.vector_store %arg11[%swap3A_78, %swap3A_79], %div3A_77 {strides = array<i32>} : memref<512x1000xf32, #tpu.memory_space<vmem>>, vector<512x1000xf32>,
    %iota3A = tpu.iota {dimensions = array<i32: 0>} : vector<512x1xi32>
    %mul3A_81 = arith.constant 512 : i32
    %mul3A_82 = arith.muli %arg0, %mul3A_81 : i32
    %add3A_83 = vector.broadcast %mul3A_82 : i32 to vector<512x1xi32>
    %add3A_84 = arith.addi %iota3A, %add3A_83 : vector<512x1xi32>
    %mul3A_85 = arith.constant 1000 : i32
    %mul3A_86 = vector.broadcast %mul3A_85 : i32 to vector<512x1xi32>
    %mul3A_87 = arith.muli %add3A_84, %mul3A_86 : vector<512x1xi32>
    %iota3A_88 = tpu.iota {dimensions = array<i32: 1>} : vector<512x1000xi32>
    %add3A_89 = vector.broadcast %mul3A_87 : vector<512x1xi32> to vector<512x1000xi32>
    %add3A_90 = arith.addi %add3A_89, %iota3A_88 : vector<512x1000xi32>
    %xor3A = arith.constant 0 : i32
    %xor3A_91 = arith.constant 42 : i32
    %xor3A_92 = arith.xori %xor3A, %xor3A_91 : i32
    %xor3A_93 = arith.constant 466688986 : i32
    %xor3A_94 = arith.xori %xor3A_92, %xor3A_93 : i32
    %broadcast_in_dim3A_95 = arith.constant 0 : i32
    %broadcast_in_dim3A_96 = vector.broadcast %broadcast_in_dim3A_95 : i32 to vector<512x1000xi32>
    %add3A_97 = arith.constant 42 : i32
    %add3A_98 = vector.broadcast %add3A_97 : i32 to vector<512x1000xi32>
    %add3A_99 = arith.addi %add3A_90, %add3A_98 : vector<512x1000xi32>
    %add3A_100 = arith.addi %broadcast_in_dim3A_96, %add3A_99 : vector<512x1000xi32>
    %shift_left3A = arith.constant 13 : i32
    %shift_left3A_101 = vector.broadcast %shift_left3A : i32 to vector<512x1000xi32>
    %shift_left3A_102 = arith.shli %add3A_99, %shift_left3A_101 : vector<512x1000xi32>
    %shift_right_logical3A = arith.constant 19 : i32
    %shift_right_logical3A_103 = vector.broadcast %shift_right_logical3A : i32 to vector<512x1000xi32>
    %shift_right_logical3A_104 = arith.shrui %add3A_99, %shift_right_logical3A_103 : vector<512x1000xi32>
    %or3A = arith.ori %shift_left3A_102, %shift_right_logical3A_104 : vector<512x1000xi32>
    %xor3A_105 = arith.xori %add3A_100, %or3A : vector<512x1000xi32>
    %add3A_106 = arith.addi %add3A_100, %xor3A_105 : vector<512x1000xi32>
    %shift_left3A_107 = arith.constant 15 : i32
    %shift_left3A_108 = vector.broadcast %shift_left3A_107 : i32 to vector<512x1000xi32>
    %shift_left3A_109 = arith.shli %xor3A_105, %shift_left3A_108 : vector<512x1000xi32>
    %shift_right_logical3A_110 = arith.constant 17 : i32
    %shift_right_logical3A_111 = vector.broadcast %shift_right_logical3A_110 : i32 to vector<512x1000xi32>
    %shift_right_logical3A_112 = arith.shrui %xor3A_105, %shift_right_logical3A_111 : vector<512x1000xi32>
    %or3A_113 = arith.ori %shift_left3A_109, %shift_right_logical3A_112 : vector<512x1000xi32>
    %xor3A_114 = arith.xori %add3A_106, %or3A_113 : vector<512x1000xi32>
    %add3A_115 = arith.addi %add3A_106, %xor3A_114 : vector<512x1000xi32>
    %shift_left3A_116 = arith.constant 26 : i32
    %shift_left3A_117 = vector.broadcast %shift_left3A_116 : i32 to vector<512x1000xi32>
    %shift_left3A_118 = arith.shli %xor3A_114, %shift_left3A_117 : vector<512x1000xi32>
    %shift_right_logical3A_119 = arith.constant 6 : i32
    %shift_right_logical3A_120 = vector.broadcast %shift_right_logical3A_119 : i32 to vector<512x1000xi32>
    %shift_right_logical3A_121 = arith.shrui %xor3A_114, %shift_right_logical3A_120 : vector<512x1000xi32>
    %or3A_122 = arith.ori %shift_left3A_118, %shift_right_logical3A_121 : vector<512x1000xi32>
    %xor3A_123 = arith.xori %add3A_115, %or3A_122 : vector<512x1000xi32>
    %add3A_124 = arith.addi %add3A_115, %xor3A_123 : vector<512x1000xi32>
    %shift_left3A_125 = arith.constant 6 : i32
    %shift_left3A_126 = vector.broadcast %shift_left3A_125 : i32 to vector<512x1000xi32>
    %shift_left3A_127 = arith.shli %xor3A_123, %shift_left3A_126 : vector<512x1000xi32>
    %shift_right_logical3A_128 = arith.constant 26 : i32
    %shift_right_logical3A_129 = vector.broadcast %shift_right_logical3A_128 : i32 to vector<512x1000xi32>
    %shift_right_logical3A_130 = arith.shrui %xor3A_123, %shift_right_logical3A_129 : vector<512x1000xi32>
    %or3A_131 = arith.ori %shift_left3A_127, %shift_right_logical3A_130 : vector<512x1000xi32>
    %xor3A_132 = arith.xori %add3A_124, %or3A_131 : vector<512x1000xi32>
    %add3A_133 = arith.constant 42 : i32
    %add3A_134 = vector.broadcast %add3A_133 : i32 to vector<512x1000xi32>
    %add3A_135 = arith.addi %add3A_124, %add3A_134 : vector<512x1000xi32>
    %add3A_136 = vector.broadcast %xor3A_94 : i32 to vector<512x1000xi32>
    %add3A_137 = arith.addi %xor3A_132, %add3A_136 : vector<512x1000xi32>
    %add3A_138 = arith.constant 1 : i32
    %add3A_139 = vector.broadcast %add3A_138 : i32 to vector<512x1000xi32>
    %add3A_140 = arith.addi %add3A_137, %add3A_139 : vector<512x1000xi32>
    %add3A_141 = arith.addi %add3A_135, %add3A_140 : vector<512x1000xi32>
    %shift_left3A_142 = arith.constant 17 : i32
    %shift_left3A_143 = vector.broadcast %shift_left3A_142 : i32 to vector<512x1000xi32>
    %shift_left3A_144 = arith.shli %add3A_140, %shift_left3A_143 : vector<512x1000xi32>
    %shift_right_logical3A_145 = arith.constant 15 : i32
    %shift_right_logical3A_146 = vector.broadcast %shift_right_logical3A_145 : i32 to vector<512x1000xi32>
    %shift_right_logical3A_147 = arith.shrui %add3A_140, %shift_right_logical3A_146 : vector<512x1000xi32>
    %or3A_148 = arith.ori %shift_left3A_144, %shift_right_logical3A_147 : vector<512x1000xi32>
    %xor3A_149 = arith.xori %add3A_141, %or3A_148 : vector<512x1000xi32>
    %add3A_150 = arith.addi %add3A_141, %xor3A_149 : vector<512x1000xi32>
    %shift_left3A_151 = arith.constant 29 : i32
    %shift_left3A_152 = vector.broadcast %shift_left3A_151 : i32 to vector<512x1000xi32>
    %shift_left3A_153 = arith.shli %xor3A_149, %shift_left3A_152 : vector<512x1000xi32>
    %shift_right_logical3A_154 = arith.constant 3 : i32
    %shift_right_logical3A_155 = vector.broadcast %shift_right_logical3A_154 : i32 to vector<512x1000xi32>
    %shift_right_logical3A_156 = arith.shrui %xor3A_149, %shift_right_logical3A_155 : vector<512x1000xi32>
    %or3A_157 = arith.ori %shift_left3A_153, %shift_right_logical3A_156 : vector<512x1000xi32>
    %xor3A_158 = arith.xori %add3A_150, %or3A_157 : vector<512x1000xi32>
    %add3A_159 = arith.addi %add3A_150, %xor3A_158 : vector<512x1000xi32>
    %shift_left3A_160 = arith.constant 16 : i32
    %shift_left3A_161 = vector.broadcast %shift_left3A_160 : i32 to vector<512x1000xi32>
    %shift_left3A_162 = arith.shli %xor3A_158, %shift_left3A_161 : vector<512x1000xi32>
    %shift_right_logical3A_163 = arith.constant 16 : i32
    %shift_right_logical3A_164 = vector.broadcast %shift_right_logical3A_163 : i32 to vector<512x1000xi32>
    %shift_right_logical3A_165 = arith.shrui %xor3A_158, %shift_right_logical3A_164 : vector<512x1000xi32>
    %or3A_166 = arith.ori %shift_left3A_162, %shift_right_logical3A_165 : vector<512x1000xi32>
    %xor3A_167 = arith.xori %add3A_159, %or3A_166 : vector<512x1000xi32>
    %add3A_168 = arith.addi %add3A_159, %xor3A_167 : vector<512x1000xi32>
    %shift_left3A_169 = arith.constant 24 : i32
    %shift_left3A_170 = vector.broadcast %shift_left3A_169 : i32 to vector<512x1000xi32>
    %shift_left3A_171 = arith.shli %xor3A_167, %shift_left3A_170 : vector<512x1000xi32>
    %shift_right_logical3A_172 = arith.constant 8 : i32
    %shift_right_logical3A_173 = vector.broadcast %shift_right_logical3A_172 : i32 to vector<512x1000xi32>
    %shift_right_logical3A_174 = arith.shrui %xor3A_167, %shift_right_logical3A_173 : vector<512x1000xi32>
    %or3A_175 = arith.ori %shift_left3A_171, %shift_right_logical3A_174 : vector<512x1000xi32>
    %xor3A_176 = arith.xori %add3A_168, %or3A_175 : vector<512x1000xi32>
    %add3A_177 = vector.broadcast %xor3A_94 : i32 to vector<512x1000xi32>
    %add3A_178 = arith.addi %add3A_168, %add3A_177 : vector<512x1000xi32>
    %add3A_179 = arith.constant 0 : i32
    %add3A_180 = vector.broadcast %add3A_179 : i32 to vector<512x1000xi32>
    %add3A_181 = arith.addi %xor3A_176, %add3A_180 : vector<512x1000xi32>
    %add3A_182 = arith.constant 2 : i32
    %add3A_183 = vector.broadcast %add3A_182 : i32 to vector<512x1000xi32>
    %add3A_184 = arith.addi %add3A_181, %add3A_183 : vector<512x1000xi32>
    %add3A_185 = arith.addi %add3A_178, %add3A_184 : vector<512x1000xi32>
    %shift_left3A_186 = arith.constant 13 : i32
    %shift_left3A_187 = vector.broadcast %shift_left3A_186 : i32 to vector<512x1000xi32>
    %shift_left3A_188 = arith.shli %add3A_184, %shift_left3A_187 : vector<512x1000xi32>
    %shift_right_logical3A_189 = arith.constant 19 : i32
    %shift_right_logical3A_190 = vector.broadcast %shift_right_logical3A_189 : i32 to vector<512x1000xi32>
    %shift_right_logical3A_191 = arith.shrui %add3A_184, %shift_right_logical3A_190 : vector<512x1000xi32>
    %or3A_192 = arith.ori %shift_left3A_188, %shift_right_logical3A_191 : vector<512x1000xi32>
    %xor3A_193 = arith.xori %add3A_185, %or3A_192 : vector<512x1000xi32>
    %add3A_194 = arith.addi %add3A_185, %xor3A_193 : vector<512x1000xi32>
    %shift_left3A_195 = arith.constant 15 : i32
    %shift_left3A_196 = vector.broadcast %shift_left3A_195 : i32 to vector<512x1000xi32>
    %shift_left3A_197 = arith.shli %xor3A_193, %shift_left3A_196 : vector<512x1000xi32>
    %shift_right_logical3A_198 = arith.constant 17 : i32
    %shift_right_logical3A_199 = vector.broadcast %shift_right_logical3A_198 : i32 to vector<512x1000xi32>
    %shift_right_logical3A_200 = arith.shrui %xor3A_193, %shift_right_logical3A_199 : vector<512x1000xi32>
    %or3A_201 = arith.ori %shift_left3A_197, %shift_right_logical3A_200 : vector<512x1000xi32>
    %xor3A_202 = arith.xori %add3A_194, %or3A_201 : vector<512x1000xi32>
    %add3A_203 = arith.addi %add3A_194, %xor3A_202 : vector<512x1000xi32>
    %shift_left3A_204 = arith.constant 26 : i32
    %shift_left3A_205 = vector.broadcast %shift_left3A_204 : i32 to vector<512x1000xi32>
    %shift_left3A_206 = arith.shli %xor3A_202, %shift_left3A_205 : vector<512x1000xi32>
    %shift_right_logical3A_207 = arith.constant 6 : i32
    %shift_right_logical3A_208 = vector.broadcast %shift_right_logical3A_207 : i32 to vector<512x1000xi32>
    %shift_right_logical3A_209 = arith.shrui %xor3A_202, %shift_right_logical3A_208 : vector<512x1000xi32>
    %or3A_210 = arith.ori %shift_left3A_206, %shift_right_logical3A_209 : vector<512x1000xi32>
    %xor3A_211 = arith.xori %add3A_203, %or3A_210 : vector<512x1000xi32>
    %add3A_212 = arith.addi %add3A_203, %xor3A_211 : vector<512x1000xi32>
    %shift_left3A_213 = arith.constant 6 : i32
    %shift_left3A_214 = vector.broadcast %shift_left3A_213 : i32 to vector<512x1000xi32>
    %shift_left3A_215 = arith.shli %xor3A_211, %shift_left3A_214 : vector<512x1000xi32>
    %shift_right_logical3A_216 = arith.constant 26 : i32
    %shift_right_logical3A_217 = vector.broadcast %shift_right_logical3A_216 : i32 to vector<512x1000xi32>
    %shift_right_logical3A_218 = arith.shrui %xor3A_211, %shift_right_logical3A_217 : vector<512x1000xi32>
    %or3A_219 = arith.ori %shift_left3A_215, %shift_right_logical3A_218 : vector<512x1000xi32>
    %xor3A_220 = arith.xori %add3A_212, %or3A_219 : vector<512x1000xi32>
    %add3A_221 = arith.constant 0 : i32
    %add3A_222 = vector.broadcast %add3A_221 : i32 to vector<512x1000xi32>
    %add3A_223 = arith.addi %add3A_212, %add3A_222 : vector<512x1000xi32>
    %add3A_224 = arith.constant 42 : i32
    %add3A_225 = vector.broadcast %add3A_224 : i32 to vector<512x1000xi32>
    %add3A_226 = arith.addi %xor3A_220, %add3A_225 : vector<512x1000xi32>
    %add3A_227 = arith.constant 3 : i32
    %add3A_228 = vector.broadcast %add3A_227 : i32 to vector<512x1000xi32>
    %add3A_229 = arith.addi %add3A_226, %add3A_228 : vector<512x1000xi32>
    %add3A_230 = arith.addi %add3A_223, %add3A_229 : vector<512x1000xi32>
    %shift_left3A_231 = arith.constant 17 : i32
    %shift_left3A_232 = vector.broadcast %shift_left3A_231 : i32 to vector<512x1000xi32>
    %shift_left3A_233 = arith.shli %add3A_229, %shift_left3A_232 : vector<512x1000xi32>
    %shift_right_logical3A_234 = arith.constant 15 : i32
    %shift_right_logical3A_235 = vector.broadcast %shift_right_logical3A_234 : i32 to vector<512x1000xi32>
    %shift_right_logical3A_236 = arith.shrui %add3A_229, %shift_right_logical3A_235 : vector<512x1000xi32>
    %or3A_237 = arith.ori %shift_left3A_233, %shift_right_logical3A_236 : vector<512x1000xi32>
    %xor3A_238 = arith.xori %add3A_230, %or3A_237 : vector<512x1000xi32>
    %add3A_239 = arith.addi %add3A_230, %xor3A_238 : vector<512x1000xi32>
    %shift_left3A_240 = arith.constant 29 : i32
    %shift_left3A_241 = vector.broadcast %shift_left3A_240 : i32 to vector<512x1000xi32>
    %shift_left3A_242 = arith.shli %xor3A_238, %shift_left3A_241 : vector<512x1000xi32>
    %shift_right_logical3A_243 = arith.constant 3 : i32
    %shift_right_logical3A_244 = vector.broadcast %shift_right_logical3A_243 : i32 to vector<512x1000xi32>
    %shift_right_logical3A_245 = arith.shrui %xor3A_238, %shift_right_logical3A_244 : vector<512x1000xi32>
    %or3A_246 = arith.ori %shift_left3A_242, %shift_right_logical3A_245 : vector<512x1000xi32>
    %xor3A_247 = arith.xori %add3A_239, %or3A_246 : vector<512x1000xi32>
    %add3A_248 = arith.addi %add3A_239, %xor3A_247 : vector<512x1000xi32>
    %shift_left3A_249 = arith.constant 16 : i32
    %shift_left3A_250 = vector.broadcast %shift_left3A_249 : i32 to vector<512x1000xi32>
    %shift_left3A_251 = arith.shli %xor3A_247, %shift_left3A_250 : vector<512x1000xi32>
    %shift_right_logical3A_252 = arith.constant 16 : i32
    %shift_right_logical3A_253 = vector.broadcast %shift_right_logical3A_252 : i32 to vector<512x1000xi32>
    %shift_right_logical3A_254 = arith.shrui %xor3A_247, %shift_right_logical3A_253 : vector<512x1000xi32>
    %or3A_255 = arith.ori %shift_left3A_251, %shift_right_logical3A_254 : vector<512x1000xi32>
    %xor3A_256 = arith.xori %add3A_248, %or3A_255 : vector<512x1000xi32>
    %add3A_257 = arith.addi %add3A_248, %xor3A_256 : vector<512x1000xi32>
    %shift_left3A_258 = arith.constant 24 : i32
    %shift_left3A_259 = vector.broadcast %shift_left3A_258 : i32 to vector<512x1000xi32>
    %shift_left3A_260 = arith.shli %xor3A_256, %shift_left3A_259 : vector<512x1000xi32>
    %shift_right_logical3A_261 = arith.constant 8 : i32
    %shift_right_logical3A_262 = vector.broadcast %shift_right_logical3A_261 : i32 to vector<512x1000xi32>
    %shift_right_logical3A_263 = arith.shrui %xor3A_256, %shift_right_logical3A_262 : vector<512x1000xi32>
    %or3A_264 = arith.ori %shift_left3A_260, %shift_right_logical3A_263 : vector<512x1000xi32>
    %xor3A_265 = arith.xori %add3A_257, %or3A_264 : vector<512x1000xi32>
    %add3A_266 = arith.constant 42 : i32
    %add3A_267 = vector.broadcast %add3A_266 : i32 to vector<512x1000xi32>
    %add3A_268 = arith.addi %add3A_257, %add3A_267 : vector<512x1000xi32>
    %add3A_269 = vector.broadcast %xor3A_94 : i32 to vector<512x1000xi32>
    %add3A_270 = arith.addi %xor3A_265, %add3A_269 : vector<512x1000xi32>
    %add3A_271 = arith.constant 4 : i32
    %add3A_272 = vector.broadcast %add3A_271 : i32 to vector<512x1000xi32>
    %add3A_273 = arith.addi %add3A_270, %add3A_272 : vector<512x1000xi32>
    %add3A_274 = arith.addi %add3A_268, %add3A_273 : vector<512x1000xi32>
    %shift_left3A_275 = arith.constant 13 : i32
    %shift_left3A_276 = vector.broadcast %shift_left3A_275 : i32 to vector<512x1000xi32>
    %shift_left3A_277 = arith.shli %add3A_273, %shift_left3A_276 : vector<512x1000xi32>
    %shift_right_logical3A_278 = arith.constant 19 : i32
    %shift_right_logical3A_279 = vector.broadcast %shift_right_logical3A_278 : i32 to vector<512x1000xi32>
    %shift_right_logical3A_280 = arith.shrui %add3A_273, %shift_right_logical3A_279 : vector<512x1000xi32>
    %or3A_281 = arith.ori %shift_left3A_277, %shift_right_logical3A_280 : vector<512x1000xi32>
    %xor3A_282 = arith.xori %add3A_274, %or3A_281 : vector<512x1000xi32>
    %add3A_283 = arith.addi %add3A_274, %xor3A_282 : vector<512x1000xi32>
    %shift_left3A_284 = arith.constant 15 : i32
    %shift_left3A_285 = vector.broadcast %shift_left3A_284 : i32 to vector<512x1000xi32>
    %shift_left3A_286 = arith.shli %xor3A_282, %shift_left3A_285 : vector<512x1000xi32>
    %shift_right_logical3A_287 = arith.constant 17 : i32
    %shift_right_logical3A_288 = vector.broadcast %shift_right_logical3A_287 : i32 to vector<512x1000xi32>
    %shift_right_logical3A_289 = arith.shrui %xor3A_282, %shift_right_logical3A_288 : vector<512x1000xi32>
    %or3A_290 = arith.ori %shift_left3A_286, %shift_right_logical3A_289 : vector<512x1000xi32>
    %xor3A_291 = arith.xori %add3A_283, %or3A_290 : vector<512x1000xi32>
    %add3A_292 = arith.addi %add3A_283, %xor3A_291 : vector<512x1000xi32>
    %shift_left3A_293 = arith.constant 26 : i32
    %shift_left3A_294 = vector.broadcast %shift_left3A_293 : i32 to vector<512x1000xi32>
    %shift_left3A_295 = arith.shli %xor3A_291, %shift_left3A_294 : vector<512x1000xi32>
    %shift_right_logical3A_296 = arith.constant 6 : i32
    %shift_right_logical3A_297 = vector.broadcast %shift_right_logical3A_296 : i32 to vector<512x1000xi32>
    %shift_right_logical3A_298 = arith.shrui %xor3A_291, %shift_right_logical3A_297 : vector<512x1000xi32>
    %or3A_299 = arith.ori %shift_left3A_295, %shift_right_logical3A_298 : vector<512x1000xi32>
    %xor3A_300 = arith.xori %add3A_292, %or3A_299 : vector<512x1000xi32>
    %add3A_301 = arith.addi %add3A_292, %xor3A_300 : vector<512x1000xi32>
    %shift_left3A_302 = arith.constant 6 : i32
    %shift_left3A_303 = vector.broadcast %shift_left3A_302 : i32 to vector<512x1000xi32>
    %shift_left3A_304 = arith.shli %xor3A_300, %shift_left3A_303 : vector<512x1000xi32>
    %shift_right_logical3A_305 = arith.constant 26 : i32
    %shift_right_logical3A_306 = vector.broadcast %shift_right_logical3A_305 : i32 to vector<512x1000xi32>
    %shift_right_logical3A_307 = arith.shrui %xor3A_300, %shift_right_logical3A_306 : vector<512x1000xi32>
    %or3A_308 = arith.ori %shift_left3A_304, %shift_right_logical3A_307 : vector<512x1000xi32>
    %xor3A_309 = arith.xori %add3A_301, %or3A_308 : vector<512x1000xi32>
    %add3A_310 = vector.broadcast %xor3A_94 : i32 to vector<512x1000xi32>
    %add3A_311 = arith.addi %add3A_301, %add3A_310 : vector<512x1000xi32>
    %add3A_312 = arith.constant 0 : i32
    %add3A_313 = vector.broadcast %add3A_312 : i32 to vector<512x1000xi32>
    %add3A_314 = arith.addi %xor3A_309, %add3A_313 : vector<512x1000xi32>
    %add3A_315 = arith.constant 5 : i32
    %add3A_316 = vector.broadcast %add3A_315 : i32 to vector<512x1000xi32>
    %add3A_317 = arith.addi %add3A_314, %add3A_316 : vector<512x1000xi32>
    %xor3A_318 = arith.xori %add3A_311, %add3A_317 : vector<512x1000xi32>
    %shift_right_logical3A_319 = arith.constant 9 : i32
    %shift_right_logical3A_320 = vector.broadcast %shift_right_logical3A_319 : i32 to vector<512x1000xi32>
    %shift_right_logical3A_321 = arith.shrui %xor3A_318, %shift_right_logical3A_320 : vector<512x1000xi32>
    %or3A_322 = arith.constant 1065353216 : i32
    %or3A_323 = vector.broadcast %or3A_322 : i32 to vector<512x1000xi32>
    %or3A_324 = arith.ori %shift_right_logical3A_321, %or3A_323 : vector<512x1000xi32>
    %bitcast_convert_type3A = tpu.bitcast %or3A_324 : vector<512x1000xi32> -> vector<512x1000xf32>
    %sub3A_325 = arith.constant 1.000000e+00 : f32
    %sub3A_326 = vector.broadcast %sub3A_325 : f32 to vector<512x1000xf32>
    %sub3A_327 = arith.subf %bitcast_convert_type3A, %sub3A_326 : vector<512x1000xf32>
    %add3A_328 = arith.constant 1.17549435E-38 : f32
    %add3A_329 = vector.broadcast %add3A_328 : f32 to vector<512x1000xf32>
    %add3A_330 = arith.addf %sub3A_327, %add3A_329 : vector<512x1000xf32>
    %log3A_331 = math.log %add3A_330 : vector<512x1000xf32>
    %neg3A = arith.constant 0.000000e+00 : f32
    %neg3A_332 = vector.broadcast %neg3A : f32 to vector<512x1000xf32>
    %neg3A_333 = arith.subf %neg3A_332, %log3A_331 : vector<512x1000xf32>
    %add3A_334 = arith.constant 9.99999968E-21 : f32
    %add3A_335 = vector.broadcast %add3A_334 : f32 to vector<512x1000xf32>
    %add3A_336 = arith.addf %div3A_77, %add3A_335 : vector<512x1000xf32>
    %div3A_337 = arith.divf %add3A_336, %neg3A_333 : vector<512x1000xf32>
    %jit3A_338 = arith.constant 0.000000e+00 : f32
    %broadcast_in_dim3A_339 = vector.broadcast %jit3A_338 : f32 to vector<512x1000xf32>
    %select_n3A_340 = arith.select %slice3A, %div3A_337, %broadcast_in_dim3A_339 : vector<512x1000xi1>, vector<512x1000xf32>
    %reduce_max3A_341 = arith.constant dense<0xFF800000> : vector<512xf32>
    %reduce_max3A_342 = vector.multi_reduction <maximumf>, %select_n3A_340, %reduce_max3A_341 [1] : vector<512x1000xf32> to vector<512xf32>
    %broadcast_in_dim3A_343 = vector.shape_cast %reduce_max3A_342 : vector<512xf32> to vector<512x1xf32>
    %iota3A_344 = tpu.iota {dimensions = array<i32: 1>} : vector<512x1000xi32>
    %eq3A = vector.broadcast %broadcast_in_dim3A_343 : vector<512x1xf32> to vector<512x1000xf32>
    %eq3A_345 = arith.cmpf oeq, %select_n3A_340, %eq3A : vector<512x1000xf32>
    %jit3A_346 = arith.constant 1073741824 : i32
    %broadcast_in_dim3A_347 = vector.broadcast %jit3A_346 : i32 to vector<512x1000xi32>
    %select_n3A_348 = arith.select %eq3A_345, %iota3A_344, %broadcast_in_dim3A_347 : vector<512x1000xi1>, vector<512x1000xi32>
    %reduce_min3A = arith.constant dense<2147483647> : vector<512xi32>
    %reduce_min3A_349 = vector.multi_reduction <minsi>, %select_n3A_348, %reduce_min3A [1] : vector<512x1000xi32> to vector<512xi32>
    %broadcast_in_dim3A_350 = vector.shape_cast %reduce_min3A_349 : vector<512xi32> to vector<512x1xi32>
    %swap3A_351 = arith.constant 0 : index
    %swap3A_352 = arith.constant 0 : index
    %swap3A_353 = vector.load %arg13[%swap3A_351, %swap3A_352] : memref<512x1xi32, #tpu.memory_space<vmem>>, vector<512x1xi32>
    tpu.vector_store %arg13[%swap3A_351, %swap3A_352], %broadcast_in_dim3A_350 {strides = array<i32>} : memref<512x1xi32, #tpu.memory_space<vmem>>, vector<512x1xi32>,
    return
  }
  func.func @transform_0(%arg0: i32) -> (i32, i32) {
    %c0_i32 = arith.constant 0 : i32
    %c0_i32_0 = arith.constant 0 : i32
    return %arg0, %c0_i32 : i32, i32
  }
  func.func @transform_1(%arg0: i32) -> (i32, i32) {
    %c0_i32 = arith.constant 0 : i32
    %c0_i32_0 = arith.constant 0 : i32
    %c0_i32_1 = arith.constant 0 : i32
    return %c0_i32, %c0_i32_0 : i32, i32
  }
  func.func @transform_2(%arg0: i32) -> (i32, i32) {
    %c0_i32 = arith.constant 0 : i32
    %c0_i32_0 = arith.constant 0 : i32
    %c0_i32_1 = arith.constant 0 : i32
    return %c0_i32, %c0_i32_0 : i32, i32
  }
  func.func @transform_3(%arg0: i32) -> (i32, i32) {
    %c0_i32 = arith.constant 0 : i32
    %c0_i32_0 = arith.constant 0 : i32
    return %arg0, %c0_i32 : i32, i32
  }
  func.func @transform_4(%arg0: i32) -> (i32, i32) {
    %c0_i32 = arith.constant 0 : i32
    %c0_i32_0 = arith.constant 0 : i32
    return %arg0, %c0_i32 : i32, i32
  }
  func.func @transform_5(%arg0: i32) -> (i32, i32) {
    %c0_i32 = arith.constant 0 : i32
    %c0_i32_0 = arith.constant 0 : i32
    return %arg0, %c0_i32 : i32, i32
  }
  func.func @transform_6(%arg0: i32) -> (i32, i32) {
    %c0_i32 = arith.constant 0 : i32
    %c0_i32_0 = arith.constant 0 : i32
    return %arg0, %c0_i32 : i32, i32
  }
  func.func @transform_7(%arg0: i32) -> (i32, i32) {
    %c0_i32 = arith.constant 0 : i32
    %c0_i32_0 = arith.constant 0 : i32
    return %arg0, %c0_i32 : i32, i32
  }
  func.func @transform_8(%arg0: i32) -> (i32, i32) {
    %c0_i32 = arith.constant 0 : i32
    %c0_i32_0 = arith.constant 0 : i32
    %c0_i32_1 = arith.constant 0 : i32
    return %c0_i32, %c0_i32_0 : i32, i32
  }
  func.func @transform_9(%arg0: i32) -> (i32, i32) {
    %c0_i32 = arith.constant 0 : i32
    %c0_i32_0 = arith.constant 0 : i32
    %c0_i32_1 = arith.constant 0 : i32
    return %c0_i32, %c0_i32_0 : i32, i32
  }
  func.func @transform_10(%arg0: i32) -> (i32, i32) {
    %c0_i32 = arith.constant 0 : i32
    %c0_i32_0 = arith.constant 0 : i32
    return %arg0, %c0_i32 : i32, i32
  }
  func.func @transform_11(%arg0: i32) -> (i32, i32) {
    %c0_i32 = arith.constant 0 : i32
    %c0_i32_0 = arith.constant 0 : i32
    return %arg0, %c0_i32 : i32, i32
  }
  func.func @transform_12(%arg0: i32) -> (i32, i32) {
    %c0_i32 = arith.constant 0 : i32
    %c0_i32_0 = arith.constant 0 : i32
    return %arg0, %c0_i32 : i32, i32
  }
}

</mosaic_0001>

<sc_bundles>
// kernel: kernel.4.cloned.1.call-start
scs
__scs_entry_jumppad:
0x0: {  	(pc) =	sbr.rel $0x88, $3  }
0x1: {  	(tag) =	ssettag $0x0;
	lr =	simm.s32 $0x1  }
0x2: {  	[smem:$0x3F97] =	sst lr;
	_ =	strace $0xD0000000  }
0x3: {  	_ = 	snop  }
0x4: {  	_ = 	snop  }
0x5: {  	_ = 	snop  }
0x6: {  	_ = 	snop  }
0x7: {  	_ = 	snop  }
__scs_overlays_trampoline_lowered:
0x8: {  	[smem:$0x3FA6] =	sst s0  }
0x9: {  	[smem:$0x3FA7] =	sst s1  }
0xa: {  	[smem:$0x3FA8] =	sst s2  }
0xb: {  	[smem:$0x3FA9] =	sst s3  }
0xc: {  	[smem:$0x3FAA] =	sst s4  }
0xd: {  	[smem:$0x3FAB] =	sst s5  }
0xe: {  	[smem:$0x3FAC] =	sst s6  }
0xf: {  	[smem:$0x3FAD] =	sst s7  }
0x10: {  	[smem:$0x3FAE] =	sst s8  }
0x11: {  	[smem:$0x3FAF] =	sst s9;
	s0 =	simm.s32 @!p0 $0x0  }
0x12: {  	s1 =	sld [smem:$0x3F95];
	s0 =	simm.s32 @p0 $0x1  }
0x13: {  	[smem:$0x3FB0] =	sst s0;
	s0 =	simm.s32 @!p1 $0x0  }
0x14: {  	s2 =	sld [smem:$0x3F94];
	s0 =	simm.s32 @p1 $0x1  }
0x15: {  	[smem:$0x3FB1] =	sst s0;
	s0 =	simm.s32 @!p2 $0x0  }
0x16: {  	s3 =	sld [smem:$0x3FDB];
	s0 =	simm.s32 @p2 $0x1  }
0x17: {  	s4 =	simm.s32 $0x1BF5;
	[smem:$0x3FB3] =	sst s0  }
0x18: {  	s0 =	sld [smem:$0x3F96];
	_ =	swait.ge [sflag:s4], $0x0  }
0x19: {  	s7 =	sld [smem:$0x3F97]  }
0x1a: {  	s8 =	sadd.s32 $0xFFFFE003, lr  }
0x1b: {  	s9 =	sadd.s32 $0xFFFFFEF7, lr;
	s5 =	simm.s32 $0xFFFFFFFF;
	p2 =	slt.u32 s8, $0xFFFFF086  }
0x1c: {  	p1 =	slt.u32 s9, $0xF7A;
	s5 =	simm.s32 @!p2 $0x0  }
0x1d: {  	s5 =	simm.s32 @p1 $0x1;
	p0 =	seq.s32 s7, s2  }
0x1e: {  	s7 =	smul.u32 @!p0 $0xF7A, s2;
	p2 =	seq.s32 @!p0 s5, $0x0  }
0x1f: {  	s9 =	smul.u32 $0xF7A, s1;
	s8 =	simm.s32 @!p0 $0x1BF5;
	p2 =	por !p2, p0  }
0x20: {  	[sflag:s8] =	ssyncset.s32 @!p0 $0xFFFFF086;
	s6 =	sadd.s32 @!p0 s3, s7;
	s7 =	simm.s32 @!p0 $0x108  }
0x21: {  	s3 =	sadd.s32 s3, s9;
	s6 =	sadd.s32 @!p0 $0x88, s6;
	s7 =	simm.s32 @p2 $0x1082  }
0x22: {  	[simem:s7], [sflag:s8] =	dma.local @!p0 [hbm:s6], $0xF7A  }
0x23: {  	s9 =	sor.u32 $0xD0000000, s2;
	s6 =	simm.s32 $0x108;
	_ =	swait.ge @!p0 [sflag:s8], $0x0  }
0x24: {  	s3 =	sadd.s32 $0x88, s3;
	s6 =	simm.s32 @!p1 $0x1082;
	[sflag:s4] =	ssyncset.s32 $0xFFFFF086  }
0x25: {  	[simem:s6], [sflag:s4] =	dma.local [hbm:s3], $0xF7A  }
0x26: {  	[smem:$0x3F97] =	sst s1;
	(tag) =	ssettag s2;
	_ =	strace s9  }
0x27: {  	s1 =	sld [smem:$0x3FA7]  }
0x28: {  	s2 =	sld [smem:$0x3FA8]  }
0x29: {  	s4 =	sld [smem:$0x3FAA]  }
0x2a: {  	p0 =	seq.s32 s5, $0x0;
	s5 =	sld [smem:$0x3FAB]  }
0x2b: {  	s6 =	sld [smem:$0x3FAC]  }
0x2c: {  	s7 =	sld [smem:$0x3FAD]  }
0x2d: {  	s3 =	simm.s32 $0x108;
	s8 =	sld [smem:$0x3FAE]  }
0x2e: {  	s3 =	simm.s32 @!p0 $0x1082;
	s9 =	sld [smem:$0x3FAF]  }
0x2f: {  	lr =	sadd.s32 s0, s3;
	s0 =	sld [smem:$0x3FA6]  }
0x30: {  	s3 =	sld [smem:$0x3FA9]  }
0x31: {  	[smem:$0x3FB2] =	sst s10  }
0x32: {  	s10 =	sld [smem:$0x3FB0];
	_ =	sdelay $0x3  }
0x33: {  	p0 =	seq.s32 s10, $0x1;
	s10 =	sld [smem:$0x3FB2];
	_ =	sdelay $0x3  }
0x34: {  	[smem:$0x3FB2] =	sst s10  }
0x35: {  	s10 =	sld [smem:$0x3FB1];
	_ =	sdelay $0x3  }
0x36: {  	p1 =	seq.s32 s10, $0x1;
	s10 =	sld [smem:$0x3FB2];
	_ =	sdelay $0x3  }
0x37: {  	[smem:$0x3FB2] =	sst s10  }
0x38: {  	s10 =	sld [smem:$0x3FB3]  }
0x39: {  	_ = 	snop;
	(pc) =	sbr.ind lr, $3  }
0x3a: {  	_ = 	snop  }
0x3b: {  	_ = 	snop  }
0x3c: {  	p2 =	seq.s32 s10, $0x1;
	s10 =	sld [smem:$0x3FB2]  }
0x3d: {  	_ =	shalt  }
0x3e: {  	_ =	shalt  }
0x3f: {  	_ =	shalt  }
0x40: {  	_ =	shalt  }
0x41: {  	_ =	shalt  }
0x42: {  	_ =	shalt  }
0x43: {  	_ =	shalt  }
0x44: {  	_ =	shalt  }
0x45: {  	_ =	shalt  }
0x46: {  	_ =	shalt  }
0x47: {  	_ =	shalt  }
0x48: {  	_ =	shalt  }
0x49: {  	_ =	shalt  }
0x4a: {  	_ =	shalt  }
0x4b: {  	_ =	shalt  }
0x4c: {  	_ =	shalt  }
0x4d: {  	_ =	shalt  }
0x4e: {  	_ =	shalt  }
0x4f: {  	_ =	shalt  }
0x50: {  	_ =	shalt  }
0x51: {  	_ =	shalt  }
0x52: {  	_ =	shalt  }
0x53: {  	_ =	shalt  }
0x54: {  	_ =	shalt  }
0x55: {  	_ =	shalt  }
0x56: {  	_ =	shalt  }
0x57: {  	_ =	shalt  }
0x58: {  	_ =	shalt  }
0x59: {  	_ =	shalt  }
0x5a: {  	_ =	shalt  }
0x5b: {  	_ =	shalt  }
0x5c: {  	_ =	shalt  }
0x5d: {  	_ =	shalt  }
0x5e: {  	_ =	shalt  }
0x5f: {  	_ =	shalt  }
0x60: {  	_ =	shalt  }
0x61: {  	_ =	shalt  }
0x62: {  	_ =	shalt  }
0x63: {  	_ =	shalt  }
0x64: {  	_ =	shalt  }
0x65: {  	_ =	shalt  }
0x66: {  	_ =	shalt  }
0x67: {  	_ =	shalt  }
0x68: {  	_ =	shalt  }
0x69: {  	_ =	shalt  }
0x6a: {  	_ =	shalt  }
0x6b: {  	_ =	shalt  }
0x6c: {  	_ =	shalt  }
0x6d: {  	_ =	shalt  }
0x6e: {  	_ =	shalt  }
0x6f: {  	_ =	shalt  }
0x70: {  	_ =	shalt  }
0x71: {  	_ =	shalt  }
0x72: {  	_ =	shalt  }
0x73: {  	_ =	shalt  }
0x74: {  	_ =	shalt  }
0x75: {  	_ =	shalt  }
0x76: {  	_ =	shalt  }
0x77: {  	_ =	shalt  }
0x78: {  	_ =	shalt  }
0x79: {  	_ =	shalt  }
0x7a: {  	_ =	shalt  }
0x7b: {  	_ =	shalt  }
0x7c: {  	_ =	shalt  }
0x7d: {  	_ =	shalt  }
0x7e: {  	_ =	shalt  }
0x7f: {  	_ =	shalt  }
0x80: {  	_ =	shalt  }
0x81: {  	_ =	shalt  }
0x82: {  	_ =	shalt  }
0x83: {  	_ =	shalt  }
0x84: {  	_ =	shalt  }
0x85: {  	_ =	shalt  }
0x86: {  	_ =	shalt  }
0x87: {  	_ =	shalt  }
.Lfunc_end0:
.L_simem_size_0:
called_computation_lowered:
.L_overlay_start_0:
0x88: {  	s2 =	sld [smem:$0x3FD9]  }
0x89: {  	s3 =	sld [smem:$0x3FFE];
	_ =	sdelay $0x1  }
0x8a: {  	s1 =	srdreg.scid  }
0x8b: {  	s0 =	sand.u32 $0x1, s1  }
0x8c: {  	s14 =	sshll.u32 s0, $0xA;
	s2 =	sadd.s32 s3, s2  }
0x8d: {  	s2 =	sadd.s32 s2, s14  }
0x8e: {  	[smem:$0x3FBE] =	sst s2  }
0x8f: {  	_ = 	snop  }
0x90: {  	s2 =	sld [smem:$0x3FD0];
	_ =	sdelay $0x2  }
0x91: {  	s4 =	simm.s32 $0xA;
	s5 =	simm.s32 $0x10;
	s15 =	sld [smem:$0x3FC2]  }
0x92: {  	[smem:s5], [sflag:s4] =	dma.local [hbm:s2], $0x1  }
0x93: {  	_ =	swait.eq [sflag:s4], $0x1  }
0x94: {  	[sflag:s4] =	ssyncset.done $0x0  }
0x95: {  	[sflag:s4] =	ssyncadd.s32 $0xFFFFFFFF  }
0x96: {  	s16 =	sld [smem:$0x11];
	(tm) =	ssettm $0x1  }
0x97: {  	s17 =	sld [smem:$0x3FFB];
	_ =	sdelay $0x3  }
0x98: {  	_ =	strace s17  }
0x99: {  	s4 =	sld [smem:$0x3FFC];
	_ =	sdelay $0x3  }
0x9a: {  	_ =	strace s4  }
0x9b: {  	s4 =	sld [smem:$0x3FFD];
	_ =	sdelay $0x3  }
0x9c: {  	_ =	strace s4  }
0x9d: {  	_ =	strace $0x8FFFFFFF  }
0x9e: {  	s18 =	sld [smem:$0x3FDB];
	_ =	sdelay $0x1  }
0x9f: {  	s19 =	simm.s32 $_scs_section_size  }
0xa0: {  	s6 =	simm.s32 $_size__tile_overlayer_lowered;
	s7 =	simm.s32 $_tile_overlayer_lowered  }
0xa1: {  	s22 =	simm.s32 $0x1BFF;
	s21 =	sshll.u32 s7, $0x1;
	s4 =	sadd.s32 s19, s18  }
0xa2: {  	s8 =	simm.s32 $0x0;
	s20 =	sshll.u32 s6, $0x1;
	s6 =	sadd.s32 s21, s4  }
0xa3: {  	[timem:s8], [sflag:s22] =	dma.local [hbm:s6], s20  }
0xa4: {  	_ =	swait.ge [sflag:s22], s20  }
0xa5: {  	s5 =	ssub.s32 $0x0, s20;
	[sflag:s22] =	ssyncset.done $0x0  }
0xa6: {  	[sflag:s22] =	ssyncadd.s32 s5;
	_ =	sdelay $0x1  }
0xa7: {  	s23 =	simm.s32 $0x1B8B  }
0xa8: {  	_ =	swait.ge [sflag:s23], $0x1  }
0xa9: {  	[sflag:s23] =	ssyncset.done $0x0  }
0xaa: {  	s25 =	simm.s32 $0x1B8E;
	s24 =	sld [smem:$0x3FFE];
	[sflag:s23] =	ssyncadd.s32 $0xFFFFFFFF  }
0xab: {  	s26 =	simm.s32 $execute0_lowered;
	[smem:$0x3FD2] =	sst s25  }
0xac: {  	s6 =	sshll.u32 s26, $0x1;
	_ =	strace $0x80000046;
	[dreg:$0x1] =	wrdreg $0xFFFFFFFF  }
0xad: {  	s28 =	simm.s32 $_size_execute0_lowered;
	s4 =	sadd.s32 s4, s6;
	[dreg:$0x0] =	wrdreg $0x0  }
0xae: {  	s6 =	sshll.u32 s28, $0x1;
	[dreg:$0x2] =	wrdreg s4  }
0xaf: {  	[dreg:$0x3] =	wrdreg s6  }
0xb0: {  	[dreg:$0x4] =	wrdreg $0xC0  }
0xb1: {  	_ =	task [dreg:s8], $0x5FFFF  }
0xb2: {  	[dreg:$0x1] =	wrdreg $0xFFFFFFFF  }
0xb3: {  	[dreg:$0x0] =	wrdreg $0x60  }
0xb4: {  	[dreg:$0x2] =	wrdreg s15  }
0xb5: {  	[dreg:$0x3] =	wrdreg s24  }
0xb6: {  	[dreg:$0x4] =	wrdreg s16  }
0xb7: {  	[dreg:$0x5] =	wrdreg $0x9  }
0xb8: {  	_ =	task.clear_ibuf [dreg:s8], $0x6FFFF;
	_ =	strace $0x90000046  }
0xb9: {  	s29 =	simm.s32 $0x9;
	_ =	strace $0x80000048  }
0xba: {  	_ =	swait.ge [sflag:s29], $0x1  }
0xbb: {  	[sflag:s29] =	ssyncadd.s32 $0xFFFFFFFF  }
0xbc: {  	_ =	strace $0x90000048  }
0xbd: {  	_ =	sfence  }
0xbe: {  	s30 =	sld [smem:$0x0];
	_ =	sdelay $0x2  }
0xbf: {  	s31 =	sshll.u32 s1, $0xD;
	s1 =	sshrl.u32 s1, $0x2  }
0xc0: {  	s3 =	sand.u32 $0x4000, s31;
	s1 =	sadd.s32 s1, s30  }
0xc1: {  	s0 =	sor.u32 s3, s0;
	s1 =	sshll.u32 s1, $0x11  }
0xc2: {  	s0 =	sor.u32 s1, s0  }
0xc3: {  	s0 =	sadd.s32 $0x8F2B, s0  }
0xc4: {  	[sflag:s0] =	ssyncadd.remote.s32 $0x1  }
0xc5: {  	_ =	sfence.sel $0xFFFF  }
0xc6: {  	[dreg:$0x0] =	wrdreg $0xFFFFFFFF;
	(pc) =	sbr.abs _section_cstart, $3  }
0xc7: {  	[dreg:$0x1] =	wrdreg $0xFFFFFFFF  }
0xc8: {  	_ =	task.clear_ibuf [dreg:s8], $0x2FFFF;
	_ =	strace $0x9FFFFFFF  }
0xc9: {  	(tm) =	ssettm $0x7FFFFFFF  }
tec
execute0_lowered:
.L_overlay_start_1:
0x0: {  	(tag) =	ssettag $0x1  }
0x1: {  	s10 =	rddreg [dreg:$0x0]  }
0x2: {  	s3 =	rddreg [dreg:$0x1]  }
0x3: {  	s11 =	rddreg [dreg:$0x2]  }
0x4: {  	s0 =	rddreg [dreg:$0x3]  }
0x5: {  	s2 =	simm.s32 $0x0;
	s4 =	srdreg.scid;
	s1 =	stileid.u32  }
0x6: {  	s15 =	simm.s32 $0x880;
	s16 =	simm.s32 $0x1080;
	s17 =	simm.s32 $0x1880  }
0x7: {  	s18 =	simm.s32 $0x2080;
	s19 =	simm.s32 $0x2880;
	s20 =	simm.s32 $0x3080  }
0x8: {  	s21 =	simm.s32 $0x3880;
	s22 =	simm.s32 $0x4080;
	s28 =	simm.s32 $0x6880  }
0x9: {  	s29 =	simm.s32 $0x7080;
	s30 =	simm.s32 $0x7880;
	s31 =	simm.s32 $0x1  }
0xa: {  	[smem:$0x7FF] =	sst s2;
	s4 =	sand.u32 $0x1, s4;
	s6 =	sshll.u32 s1, $0xA  }
0xb: {  	s3 =	sadd.s32 $0x800, s3;
	s5 =	ssub.s32 $0x2, s4;
	s4 =	sshll.u32 s4, $0x9  }
0xc: {  	_ =	strace $0x80000047;
	s7 =	sshrl.u32 s5, $0x1;
	s9 =	sor.u32 s4, s6  }
0xd: {  	s12 =	ssub.s32 s5, s7;
	s4 =	sshrl.u32 s9, $0x3;
	s23 =	sshll.u32 s9, $0x5  }
0xe: {  	s6 =	sor.u32 $0x80, s9;
	s13 =	sor.u32 $0x100, s9;
	s14 =	sor.u32 $0x180, s9  }
0xf: {  	s4 =	sadd.s32 s10, s4;
	s5 =	sadd.s32 s11, s23;
	s24 =	sshrl.u32 s6, $0x3  }
0x10: {  	s8 =	sshll.u32 s6, $0x5;
	s25 =	sshrl.u32 s13, $0x3;
	s13 =	sshll.u32 s13, $0x5  }
0x11: {  	s26 =	sshrl.u32 s14, $0x3;
	s14 =	sshll.u32 s14, $0x5;
	s12 =	smax.u32 s12, $0x1  }
0x12: {  	s23 =	simm.s32 $0x4880;
	s6 =	sadd.s32 s10, s24;
	s7 =	sadd.s32 s11, s8  }
0x13: {  	v2 =	vlaneseq.u32;
	s8 =	sadd.s32 s10, s25;
	s9 =	sadd.s32 s11, s13;
	s10 =	sadd.s32 s10, s26  }
0x14: {  	vm0 =	vmmov $0xffff;
	v1 =	vshrl.u32 v2, $0x3;
	s11 =	sadd.s32 s11, s14;
	s13 =	simm.s32 $0x2;
	s14 =	simm.s32 $0x80  }
0x15: {  	v0 =	vand.u32 $0x7, v2;
	v2 =	vor.u32 $0x8, v2;
	v1 =	vmul.u32 $0x8, v1;
	s24 =	simm.s32 $0x5080;
	s25 =	simm.s32 $0x5880;
	s26 =	simm.s32 $0x6080  }
.LBB2_1:
0x16: {  	[tilespmem:s2], [sflag:$0x2] =	stream.linear.gather [hbm4b:s4+s2], $0x80, $0x38;
	[tilespmem:$0x8080] =	vst v63  }
0x17: {  	_ =	swait.ge [sflag:s13], $0x80  }
0x18: {  	[sflag:s13] =	ssyncset.done $0x0  }
0x19: {  	[sflag:s13] =	ssyncadd.s32 $0xFFFFFF80  }
0x1a: {  	v3 =	vld [tilespmem:$0x0];
	_ =	sdelay $0x4  }
0x1b: {  	v4 =	vshll.u32 v3, $0x1  }
0x1c: {  	v3 =	vand.u32 $0x7, v3;
	v4 =	vand.u32 $0xFFFFFFF0, v4  }
0x1d: {  	v3 =	vor.u32 v3, v4  }
0x1e: {  	v4 =	vperm.xlane v3, v0;
	_ =	sdelay $0x1  }
0x1f: {  	v3 =	vperm.xlane v3, v2;
	v4 =	vadd.s32 v1, v4;
	_ =	sdelay $0x1  }
0x20: {  	v3 =	vadd.s32 v1, v3;
	_ =	sdelay $0x2  }
0x21: {  	[tilespmem:s14], [sflag:$0x1] =	stream.indirect_vreg.gather [hbm4b:s3+s2], $0x80, v4, vm0, $0xb8;
	[tilespmem:$0x8080] =	vst v63  }
0x22: {  	_ = 	snop  }
0x23: {  	[tilespmem:s15], [sflag:$0x1] =	stream.indirect_vreg.gather [hbm4b:s3+s2], $0x80, v3, vm0, $0xb8;
	[tilespmem:$0x8080] =	vst v63  }
0x24: {  	v3 =	vld [tilespmem:$0x10];
	_ =	sdelay $0x4  }
0x25: {  	v33 =	vshll.u32 v3, $0x1  }
0x26: {  	v3 =	vand.u32 $0x7, v3;
	v4 =	vand.u32 $0xFFFFFFF0, v33  }
0x27: {  	v3 =	vor.u32 v3, v4  }
0x28: {  	v4 =	vperm.xlane v3, v0;
	_ =	sdelay $0x1  }
0x29: {  	v3 =	vperm.xlane v3, v2;
	v4 =	vadd.s32 v1, v4;
	_ =	sdelay $0x1  }
0x2a: {  	v3 =	vadd.s32 v1, v3;
	_ =	sdelay $0x2  }
0x2b: {  	[tilespmem:s16], [sflag:$0x1] =	stream.indirect_vreg.gather [hbm4b:s3+s2], $0x80, v4, vm0, $0xb8;
	[tilespmem:$0x8080] =	vst v63  }
0x2c: {  	_ = 	snop  }
0x2d: {  	[tilespmem:s17], [sflag:$0x1] =	stream.indirect_vreg.gather [hbm4b:s3+s2], $0x80, v3, vm0, $0xb8;
	[tilespmem:$0x8080] =	vst v63  }
0x2e: {  	v3 =	vld [tilespmem:$0x20];
	_ =	sdelay $0x4  }
0x2f: {  	v34 =	vshll.u32 v3, $0x1  }
0x30: {  	v3 =	vand.u32 $0x7, v3;
	v4 =	vand.u32 $0xFFFFFFF0, v34  }
0x31: {  	v3 =	vor.u32 v3, v4  }
0x32: {  	v4 =	vperm.xlane v3, v0;
	_ =	sdelay $0x1  }
0x33: {  	v3 =	vperm.xlane v3, v2;
	v4 =	vadd.s32 v1, v4;
	_ =	sdelay $0x1  }
0x34: {  	v3 =	vadd.s32 v1, v3;
	_ =	sdelay $0x2  }
0x35: {  	[tilespmem:s18], [sflag:$0x1] =	stream.indirect_vreg.gather [hbm4b:s3+s2], $0x80, v4, vm0, $0xb8;
	[tilespmem:$0x8080] =	vst v63  }
0x36: {  	_ = 	snop  }
0x37: {  	[tilespmem:s19], [sflag:$0x1] =	stream.indirect_vreg.gather [hbm4b:s3+s2], $0x80, v3, vm0, $0xb8;
	[tilespmem:$0x8080] =	vst v63  }
0x38: {  	v3 =	vld [tilespmem:$0x30];
	_ =	sdelay $0x4  }
0x39: {  	v35 =	vshll.u32 v3, $0x1  }
0x3a: {  	v3 =	vand.u32 $0x7, v3;
	v4 =	vand.u32 $0xFFFFFFF0, v35  }
0x3b: {  	v3 =	vor.u32 v3, v4  }
0x3c: {  	v4 =	vperm.xlane v3, v0;
	_ =	sdelay $0x1  }
0x3d: {  	v3 =	vperm.xlane v3, v2;
	v4 =	vadd.s32 v1, v4;
	_ =	sdelay $0x1  }
0x3e: {  	v3 =	vadd.s32 v1, v3;
	_ =	sdelay $0x2  }
0x3f: {  	[tilespmem:s20], [sflag:$0x1] =	stream.indirect_vreg.gather [hbm4b:s3+s2], $0x80, v4, vm0, $0xb8;
	[tilespmem:$0x8080] =	vst v63  }
0x40: {  	_ = 	snop  }
0x41: {  	[tilespmem:s21], [sflag:$0x1] =	stream.indirect_vreg.gather [hbm4b:s3+s2], $0x80, v3, vm0, $0xb8;
	[tilespmem:$0x8080] =	vst v63  }
0x42: {  	v3 =	vld [tilespmem:$0x40];
	_ =	sdelay $0x4  }
0x43: {  	v36 =	vshll.u32 v3, $0x1  }
0x44: {  	v3 =	vand.u32 $0x7, v3;
	v4 =	vand.u32 $0xFFFFFFF0, v36  }
0x45: {  	v3 =	vor.u32 v3, v4  }
0x46: {  	v4 =	vperm.xlane v3, v0;
	_ =	sdelay $0x1  }
0x47: {  	v3 =	vperm.xlane v3, v2;
	v4 =	vadd.s32 v1, v4;
	_ =	sdelay $0x1  }
0x48: {  	v3 =	vadd.s32 v1, v3;
	_ =	sdelay $0x2  }
0x49: {  	[tilespmem:s22], [sflag:$0x1] =	stream.indirect_vreg.gather [hbm4b:s3+s2], $0x80, v4, vm0, $0xb8;
	[tilespmem:$0x8080] =	vst v63  }
0x4a: {  	_ = 	snop  }
0x4b: {  	[tilespmem:s23], [sflag:$0x1] =	stream.indirect_vreg.gather [hbm4b:s3+s2], $0x80, v3, vm0, $0xb8;
	[tilespmem:$0x8080] =	vst v63  }
0x4c: {  	v3 =	vld [tilespmem:$0x50];
	_ =	sdelay $0x4  }
0x4d: {  	v37 =	vshll.u32 v3, $0x1  }
0x4e: {  	v3 =	vand.u32 $0x7, v3;
	v4 =	vand.u32 $0xFFFFFFF0, v37  }
0x4f: {  	v3 =	vor.u32 v3, v4  }
0x50: {  	v4 =	vperm.xlane v3, v0;
	_ =	sdelay $0x1  }
0x51: {  	v3 =	vperm.xlane v3, v2;
	v4 =	vadd.s32 v1, v4;
	_ =	sdelay $0x1  }
0x52: {  	v3 =	vadd.s32 v1, v3;
	_ =	sdelay $0x2  }
0x53: {  	[tilespmem:s24], [sflag:$0x1] =	stream.indirect_vreg.gather [hbm4b:s3+s2], $0x80, v4, vm0, $0xb8;
	[tilespmem:$0x8080] =	vst v63  }
0x54: {  	_ = 	snop  }
0x55: {  	[tilespmem:s25], [sflag:$0x1] =	stream.indirect_vreg.gather [hbm4b:s3+s2], $0x80, v3, vm0, $0xb8;
	[tilespmem:$0x8080] =	vst v63  }
0x56: {  	v3 =	vld [tilespmem:$0x60];
	_ =	sdelay $0x4  }
0x57: {  	v38 =	vshll.u32 v3, $0x1  }
0x58: {  	v3 =	vand.u32 $0x7, v3;
	v4 =	vand.u32 $0xFFFFFFF0, v38  }
0x59: {  	v3 =	vor.u32 v3, v4  }
0x5a: {  	v4 =	vperm.xlane v3, v0;
	_ =	sdelay $0x1  }
0x5b: {  	v3 =	vperm.xlane v3, v2;
	v4 =	vadd.s32 v1, v4;
	_ =	sdelay $0x1  }
0x5c: {  	v3 =	vadd.s32 v1, v3;
	_ =	sdelay $0x2  }
0x5d: {  	[tilespmem:s26], [sflag:$0x1] =	stream.indirect_vreg.gather [hbm4b:s3+s2], $0x80, v4, vm0, $0xb8;
	[tilespmem:$0x8080] =	vst v63  }
0x5e: {  	_ = 	snop  }
0x5f: {  	[tilespmem:s28], [sflag:$0x1] =	stream.indirect_vreg.gather [hbm4b:s3+s2], $0x80, v3, vm0, $0xb8;
	[tilespmem:$0x8080] =	vst v63  }
0x60: {  	v3 =	vld [tilespmem:$0x70];
	_ =	sdelay $0x4  }
0x61: {  	v39 =	vshll.u32 v3, $0x1  }
0x62: {  	v3 =	vand.u32 $0x7, v3;
	v4 =	vand.u32 $0xFFFFFFF0, v39  }
0x63: {  	v3 =	vor.u32 v3, v4  }
0x64: {  	v4 =	vperm.xlane v3, v0;
	_ =	sdelay $0x1  }
0x65: {  	v3 =	vperm.xlane v3, v2;
	v4 =	vadd.s32 v1, v4;
	_ =	sdelay $0x1  }
0x66: {  	v3 =	vadd.s32 v1, v3;
	_ =	sdelay $0x2  }
0x67: {  	[tilespmem:s29], [sflag:$0x1] =	stream.indirect_vreg.gather [hbm4b:s3+s2], $0x80, v4, vm0, $0xb8;
	[tilespmem:$0x8080] =	vst v63  }
0x68: {  	_ = 	snop  }
0x69: {  	[tilespmem:s30], [sflag:$0x1] =	stream.indirect_vreg.gather [hbm4b:s3+s2], $0x80, v3, vm0, $0xb8;
	[tilespmem:$0x8080] =	vst v63  }
0x6a: {  	_ =	swait.ge [sflag:s31], $0x8000  }
0x6b: {  	[sflag:s31] =	ssyncset.done $0x0  }
0x6c: {  	[sflag:s31] =	ssyncadd.s32 $0xFFFF8000  }
0x6d: {  	[hbm4b:s5+s2] =	stream.linear.scatter [tilespmem:s14], [sflag:$0x2], $0x8000, $0x38;
	[tilespmem:$0x8080] =	vst v63  }
0x6e: {  	_ =	swait.ge [sflag:s13], $0x8000  }
0x6f: {  	[sflag:s13] =	ssyncset.done $0x0  }
0x70: {  	[sflag:s13] =	ssyncadd.s32 $0xFFFF8000  }
0x71: {  	[tilespmem:s2], [sflag:$0x2] =	stream.linear.gather [hbm4b:s6+s2], $0x80, $0x38;
	[tilespmem:$0x8080] =	vst v63  }
0x72: {  	_ =	swait.ge [sflag:s13], $0x80  }
0x73: {  	[sflag:s13] =	ssyncset.done $0x0  }
0x74: {  	[sflag:s13] =	ssyncadd.s32 $0xFFFFFF80  }
0x75: {  	v3 =	vld [tilespmem:$0x0];
	_ =	sdelay $0x4  }
0x76: {  	v40 =	vshll.u32 v3, $0x1  }
0x77: {  	v3 =	vand.u32 $0x7, v3;
	v4 =	vand.u32 $0xFFFFFFF0, v40  }
0x78: {  	v3 =	vor.u32 v3, v4  }
0x79: {  	v4 =	vperm.xlane v3, v0;
	_ =	sdelay $0x1  }
0x7a: {  	v3 =	vperm.xlane v3, v2;
	v4 =	vadd.s32 v1, v4;
	_ =	sdelay $0x1  }
0x7b: {  	v3 =	vadd.s32 v1, v3;
	_ =	sdelay $0x2  }
0x7c: {  	[tilespmem:s14], [sflag:$0x1] =	stream.indirect_vreg.gather [hbm4b:s3+s2], $0x80, v4, vm0, $0xb8;
	[tilespmem:$0x8080] =	vst v63  }
0x7d: {  	_ = 	snop  }
0x7e: {  	[tilespmem:s15], [sflag:$0x1] =	stream.indirect_vreg.gather [hbm4b:s3+s2], $0x80, v3, vm0, $0xb8;
	[tilespmem:$0x8080] =	vst v63  }
0x7f: {  	v3 =	vld [tilespmem:$0x10];
	_ =	sdelay $0x4  }
0x80: {  	v41 =	vshll.u32 v3, $0x1  }
0x81: {  	v3 =	vand.u32 $0x7, v3;
	v4 =	vand.u32 $0xFFFFFFF0, v41  }
0x82: {  	v3 =	vor.u32 v3, v4  }
0x83: {  	v4 =	vperm.xlane v3, v0;
	_ =	sdelay $0x1  }
0x84: {  	v3 =	vperm.xlane v3, v2;
	v4 =	vadd.s32 v1, v4;
	_ =	sdelay $0x1  }
0x85: {  	v3 =	vadd.s32 v1, v3;
	_ =	sdelay $0x2  }
0x86: {  	[tilespmem:s16], [sflag:$0x1] =	stream.indirect_vreg.gather [hbm4b:s3+s2], $0x80, v4, vm0, $0xb8;
	[tilespmem:$0x8080] =	vst v63  }
0x87: {  	_ = 	snop  }
0x88: {  	[tilespmem:s17], [sflag:$0x1] =	stream.indirect_vreg.gather [hbm4b:s3+s2], $0x80, v3, vm0, $0xb8;
	[tilespmem:$0x8080] =	vst v63  }
0x89: {  	v3 =	vld [tilespmem:$0x20];
	_ =	sdelay $0x4  }
0x8a: {  	v42 =	vshll.u32 v3, $0x1  }
0x8b: {  	v3 =	vand.u32 $0x7, v3;
	v4 =	vand.u32 $0xFFFFFFF0, v42  }
0x8c: {  	v3 =	vor.u32 v3, v4  }
0x8d: {  	v4 =	vperm.xlane v3, v0;
	_ =	sdelay $0x1  }
0x8e: {  	v3 =	vperm.xlane v3, v2;
	v4 =	vadd.s32 v1, v4;
	_ =	sdelay $0x1  }
0x8f: {  	v3 =	vadd.s32 v1, v3;
	_ =	sdelay $0x2  }
0x90: {  	[tilespmem:s18], [sflag:$0x1] =	stream.indirect_vreg.gather [hbm4b:s3+s2], $0x80, v4, vm0, $0xb8;
	[tilespmem:$0x8080] =	vst v63  }
0x91: {  	_ = 	snop  }
0x92: {  	[tilespmem:s19], [sflag:$0x1] =	stream.indirect_vreg.gather [hbm4b:s3+s2], $0x80, v3, vm0, $0xb8;
	[tilespmem:$0x8080] =	vst v63  }
0x93: {  	v3 =	vld [tilespmem:$0x30];
	_ =	sdelay $0x4  }
0x94: {  	v43 =	vshll.u32 v3, $0x1  }
0x95: {  	v3 =	vand.u32 $0x7, v3;
	v4 =	vand.u32 $0xFFFFFFF0, v43  }
0x96: {  	v3 =	vor.u32 v3, v4  }
0x97: {  	v4 =	vperm.xlane v3, v0;
	_ =	sdelay $0x1  }
0x98: {  	v3 =	vperm.xlane v3, v2;
	v4 =	vadd.s32 v1, v4;
	_ =	sdelay $0x1  }
0x99: {  	v3 =	vadd.s32 v1, v3;
	_ =	sdelay $0x2  }
0x9a: {  	[tilespmem:s20], [sflag:$0x1] =	stream.indirect_vreg.gather [hbm4b:s3+s2], $0x80, v4, vm0, $0xb8;
	[tilespmem:$0x8080] =	vst v63  }
0x9b: {  	_ = 	snop  }
0x9c: {  	[tilespmem:s21], [sflag:$0x1] =	stream.indirect_vreg.gather [hbm4b:s3+s2], $0x80, v3, vm0, $0xb8;
	[tilespmem:$0x8080] =	vst v63  }
0x9d: {  	v3 =	vld [tilespmem:$0x40];
	_ =	sdelay $0x4  }
0x9e: {  	v44 =	vshll.u32 v3, $0x1  }
0x9f: {  	v3 =	vand.u32 $0x7, v3;
	v4 =	vand.u32 $0xFFFFFFF0, v44  }
0xa0: {  	v3 =	vor.u32 v3, v4  }
0xa1: {  	v4 =	vperm.xlane v3, v0;
	_ =	sdelay $0x1  }
0xa2: {  	v3 =	vperm.xlane v3, v2;
	v4 =	vadd.s32 v1, v4;
	_ =	sdelay $0x1  }
0xa3: {  	v3 =	vadd.s32 v1, v3;
	_ =	sdelay $0x2  }
0xa4: {  	[tilespmem:s22], [sflag:$0x1] =	stream.indirect_vreg.gather [hbm4b:s3+s2], $0x80, v4, vm0, $0xb8;
	[tilespmem:$0x8080] =	vst v63  }
0xa5: {  	_ = 	snop  }
0xa6: {  	[tilespmem:s23], [sflag:$0x1] =	stream.indirect_vreg.gather [hbm4b:s3+s2], $0x80, v3, vm0, $0xb8;
	[tilespmem:$0x8080] =	vst v63  }
0xa7: {  	v3 =	vld [tilespmem:$0x50];
	_ =	sdelay $0x4  }
0xa8: {  	v45 =	vshll.u32 v3, $0x1  }
0xa9: {  	v3 =	vand.u32 $0x7, v3;
	v4 =	vand.u32 $0xFFFFFFF0, v45  }
0xaa: {  	v3 =	vor.u32 v3, v4  }
0xab: {  	v4 =	vperm.xlane v3, v0;
	_ =	sdelay $0x1  }
0xac: {  	v3 =	vperm.xlane v3, v2;
	v4 =	vadd.s32 v1, v4;
	_ =	sdelay $0x1  }
0xad: {  	v3 =	vadd.s32 v1, v3;
	_ =	sdelay $0x2  }
0xae: {  	[tilespmem:s24], [sflag:$0x1] =	stream.indirect_vreg.gather [hbm4b:s3+s2], $0x80, v4, vm0, $0xb8;
	[tilespmem:$0x8080] =	vst v63  }
0xaf: {  	_ = 	snop  }
0xb0: {  	[tilespmem:s25], [sflag:$0x1] =	stream.indirect_vreg.gather [hbm4b:s3+s2], $0x80, v3, vm0, $0xb8;
	[tilespmem:$0x8080] =	vst v63  }
0xb1: {  	v3 =	vld [tilespmem:$0x60];
	_ =	sdelay $0x4  }
0xb2: {  	v46 =	vshll.u32 v3, $0x1  }
0xb3: {  	v3 =	vand.u32 $0x7, v3;
	v4 =	vand.u32 $0xFFFFFFF0, v46  }
0xb4: {  	v3 =	vor.u32 v3, v4  }
0xb5: {  	v4 =	vperm.xlane v3, v0;
	_ =	sdelay $0x1  }
0xb6: {  	v3 =	vperm.xlane v3, v2;
	v4 =	vadd.s32 v1, v4;
	_ =	sdelay $0x1  }
0xb7: {  	v3 =	vadd.s32 v1, v3;
	_ =	sdelay $0x2  }
0xb8: {  	[tilespmem:s26], [sflag:$0x1] =	stream.indirect_vreg.gather [hbm4b:s3+s2], $0x80, v4, vm0, $0xb8;
	[tilespmem:$0x8080] =	vst v63  }
0xb9: {  	_ = 	snop  }
0xba: {  	[tilespmem:s28], [sflag:$0x1] =	stream.indirect_vreg.gather [hbm4b:s3+s2], $0x80, v3, vm0, $0xb8;
	[tilespmem:$0x8080] =	vst v63  }
0xbb: {  	v3 =	vld [tilespmem:$0x70];
	_ =	sdelay $0x4  }
0xbc: {  	v47 =	vshll.u32 v3, $0x1  }
0xbd: {  	v3 =	vand.u32 $0x7, v3;
	v4 =	vand.u32 $0xFFFFFFF0, v47  }
0xbe: {  	v3 =	vor.u32 v3, v4  }
0xbf: {  	v4 =	vperm.xlane v3, v0;
	_ =	sdelay $0x1  }
0xc0: {  	v3 =	vperm.xlane v3, v2;
	v4 =	vadd.s32 v1, v4;
	_ =	sdelay $0x1  }
0xc1: {  	v3 =	vadd.s32 v1, v3;
	_ =	sdelay $0x2  }
0xc2: {  	[tilespmem:s29], [sflag:$0x1] =	stream.indirect_vreg.gather [hbm4b:s3+s2], $0x80, v4, vm0, $0xb8;
	[tilespmem:$0x8080] =	vst v63  }
0xc3: {  	_ = 	snop  }
0xc4: {  	[tilespmem:s30], [sflag:$0x1] =	stream.indirect_vreg.gather [hbm4b:s3+s2], $0x80, v3, vm0, $0xb8;
	[tilespmem:$0x8080] =	vst v63  }
0xc5: {  	_ =	swait.ge [sflag:s31], $0x8000  }
0xc6: {  	[sflag:s31] =	ssyncset.done $0x0  }
0xc7: {  	[sflag:s31] =	ssyncadd.s32 $0xFFFF8000  }
0xc8: {  	[hbm4b:s7+s2] =	stream.linear.scatter [tilespmem:s14], [sflag:$0x2], $0x8000, $0x38;
	[tilespmem:$0x8080] =	vst v63  }
0xc9: {  	_ =	swait.ge [sflag:s13], $0x8000  }
0xca: {  	[sflag:s13] =	ssyncset.done $0x0  }
0xcb: {  	[sflag:s13] =	ssyncadd.s32 $0xFFFF8000  }
0xcc: {  	[tilespmem:s2], [sflag:$0x2] =	stream.linear.gather [hbm4b:s8+s2], $0x80, $0x38;
	[tilespmem:$0x8080] =	vst v63  }
0xcd: {  	_ =	swait.ge [sflag:s13], $0x80  }
0xce: {  	[sflag:s13] =	ssyncset.done $0x0  }
0xcf: {  	[sflag:s13] =	ssyncadd.s32 $0xFFFFFF80  }
0xd0: {  	v3 =	vld [tilespmem:$0x0];
	_ =	sdelay $0x4  }
0xd1: {  	v48 =	vshll.u32 v3, $0x1  }
0xd2: {  	v3 =	vand.u32 $0x7, v3;
	v4 =	vand.u32 $0xFFFFFFF0, v48  }
0xd3: {  	v3 =	vor.u32 v3, v4  }
0xd4: {  	v4 =	vperm.xlane v3, v0;
	_ =	sdelay $0x1  }
0xd5: {  	v3 =	vperm.xlane v3, v2;
	v4 =	vadd.s32 v1, v4;
	_ =	sdelay $0x1  }
0xd6: {  	v3 =	vadd.s32 v1, v3;
	_ =	sdelay $0x2  }
0xd7: {  	[tilespmem:s14], [sflag:$0x1] =	stream.indirect_vreg.gather [hbm4b:s3+s2], $0x80, v4, vm0, $0xb8;
	[tilespmem:$0x8080] =	vst v63  }
0xd8: {  	_ = 	snop  }
0xd9: {  	[tilespmem:s15], [sflag:$0x1] =	stream.indirect_vreg.gather [hbm4b:s3+s2], $0x80, v3, vm0, $0xb8;
	[tilespmem:$0x8080] =	vst v63  }
0xda: {  	v3 =	vld [tilespmem:$0x10];
	_ =	sdelay $0x4  }
0xdb: {  	v49 =	vshll.u32 v3, $0x1  }
0xdc: {  	v3 =	vand.u32 $0x7, v3;
	v4 =	vand.u32 $0xFFFFFFF0, v49  }
0xdd: {  	v3 =	vor.u32 v3, v4  }
0xde: {  	v4 =	vperm.xlane v3, v0;
	_ =	sdelay $0x1  }
0xdf: {  	v3 =	vperm.xlane v3, v2;
	v4 =	vadd.s32 v1, v4;
	_ =	sdelay $0x1  }
0xe0: {  	v3 =	vadd.s32 v1, v3;
	_ =	sdelay $0x2  }
0xe1: {  	[tilespmem:s16], [sflag:$0x1] =	stream.indirect_vreg.gather [hbm4b:s3+s2], $0x80, v4, vm0, $0xb8;
	[tilespmem:$0x8080] =	vst v63  }
0xe2: {  	_ = 	snop  }
0xe3: {  	[tilespmem:s17], [sflag:$0x1] =	stream.indirect_vreg.gather [hbm4b:s3+s2], $0x80, v3, vm0, $0xb8;
	[tilespmem:$0x8080] =	vst v63  }
0xe4: {  	v3 =	vld [tilespmem:$0x20];
	_ =	sdelay $0x4  }
0xe5: {  	v50 =	vshll.u32 v3, $0x1  }
0xe6: {  	v3 =	vand.u32 $0x7, v3;
	v4 =	vand.u32 $0xFFFFFFF0, v50  }
0xe7: {  	v3 =	vor.u32 v3, v4  }
0xe8: {  	v4 =	vperm.xlane v3, v0;
	_ =	sdelay $0x1  }
0xe9: {  	v3 =	vperm.xlane v3, v2;
	v4 =	vadd.s32 v1, v4;
	_ =	sdelay $0x1  }
0xea: {  	v3 =	vadd.s32 v1, v3;
	_ =	sdelay $0x2  }
0xeb: {  	[tilespmem:s18], [sflag:$0x1] =	stream.indirect_vreg.gather [hbm4b:s3+s2], $0x80, v4, vm0, $0xb8;
	[tilespmem:$0x8080] =	vst v63  }
0xec: {  	_ = 	snop  }
0xed: {  	[tilespmem:s19], [sflag:$0x1] =	stream.indirect_vreg.gather [hbm4b:s3+s2], $0x80, v3, vm0, $0xb8;
	[tilespmem:$0x8080] =	vst v63  }
0xee: {  	v3 =	vld [tilespmem:$0x30];
	_ =	sdelay $0x4  }
0xef: {  	v51 =	vshll.u32 v3, $0x1  }
0xf0: {  	v3 =	vand.u32 $0x7, v3;
	v4 =	vand.u32 $0xFFFFFFF0, v51  }
0xf1: {  	v3 =	vor.u32 v3, v4  }
0xf2: {  	v4 =	vperm.xlane v3, v0;
	_ =	sdelay $0x1  }
0xf3: {  	v3 =	vperm.xlane v3, v2;
	v4 =	vadd.s32 v1, v4;
	_ =	sdelay $0x1  }
0xf4: {  	v3 =	vadd.s32 v1, v3;
	_ =	sdelay $0x2  }
0xf5: {  	[tilespmem:s20], [sflag:$0x1] =	stream.indirect_vreg.gather [hbm4b:s3+s2], $0x80, v4, vm0, $0xb8;
	[tilespmem:$0x8080] =	vst v63  }
0xf6: {  	_ = 	snop  }
0xf7: {  	[tilespmem:s21], [sflag:$0x1] =	stream.indirect_vreg.gather [hbm4b:s3+s2], $0x80, v3, vm0, $0xb8;
	[tilespmem:$0x8080] =	vst v63  }
0xf8: {  	v3 =	vld [tilespmem:$0x40];
	_ =	sdelay $0x4  }
0xf9: {  	v52 =	vshll.u32 v3, $0x1  }
0xfa: {  	v3 =	vand.u32 $0x7, v3;
	v4 =	vand.u32 $0xFFFFFFF0, v52  }
0xfb: {  	v3 =	vor.u32 v3, v4  }
0xfc: {  	v4 =	vperm.xlane v3, v0;
	_ =	sdelay $0x1  }
0xfd: {  	v3 =	vperm.xlane v3, v2;
	v4 =	vadd.s32 v1, v4;
	_ =	sdelay $0x1  }
0xfe: {  	v3 =	vadd.s32 v1, v3;
	_ =	sdelay $0x2  }
0xff: {  	[tilespmem:s22], [sflag:$0x1] =	stream.indirect_vreg.gather [hbm4b:s3+s2], $0x80, v4, vm0, $0xb8;
	[tilespmem:$0x8080] =	vst v63  }
0x100: {  	_ = 	snop  }
0x101: {  	[tilespmem:s23], [sflag:$0x1] =	stream.indirect_vreg.gather [hbm4b:s3+s2], $0x80, v3, vm0, $0xb8;
	[tilespmem:$0x8080] =	vst v63  }
0x102: {  	v3 =	vld [tilespmem:$0x50];
	_ =	sdelay $0x4  }
0x103: {  	v53 =	vshll.u32 v3, $0x1  }
0x104: {  	v3 =	vand.u32 $0x7, v3;
	v4 =	vand.u32 $0xFFFFFFF0, v53  }
0x105: {  	v3 =	vor.u32 v3, v4  }
0x106: {  	v4 =	vperm.xlane v3, v0;
	_ =	sdelay $0x1  }
0x107: {  	v3 =	vperm.xlane v3, v2;
	v4 =	vadd.s32 v1, v4;
	_ =	sdelay $0x1  }
0x108: {  	v3 =	vadd.s32 v1, v3;
	_ =	sdelay $0x2  }
0x109: {  	[tilespmem:s24], [sflag:$0x1] =	stream.indirect_vreg.gather [hbm4b:s3+s2], $0x80, v4, vm0, $0xb8;
	[tilespmem:$0x8080] =	vst v63  }
0x10a: {  	_ = 	snop  }
0x10b: {  	[tilespmem:s25], [sflag:$0x1] =	stream.indirect_vreg.gather [hbm4b:s3+s2], $0x80, v3, vm0, $0xb8;
	[tilespmem:$0x8080] =	vst v63  }
0x10c: {  	v3 =	vld [tilespmem:$0x60];
	_ =	sdelay $0x4  }
0x10d: {  	v54 =	vshll.u32 v3, $0x1  }
0x10e: {  	v3 =	vand.u32 $0x7, v3;
	v4 =	vand.u32 $0xFFFFFFF0, v54  }
0x10f: {  	v3 =	vor.u32 v3, v4  }
0x110: {  	v4 =	vperm.xlane v3, v0;
	_ =	sdelay $0x1  }
0x111: {  	v3 =	vperm.xlane v3, v2;
	v4 =	vadd.s32 v1, v4;
	_ =	sdelay $0x1  }
0x112: {  	v3 =	vadd.s32 v1, v3;
	_ =	sdelay $0x2  }
0x113: {  	[tilespmem:s26], [sflag:$0x1] =	stream.indirect_vreg.gather [hbm4b:s3+s2], $0x80, v4, vm0, $0xb8;
	[tilespmem:$0x8080] =	vst v63  }
0x114: {  	_ = 	snop  }
0x115: {  	[tilespmem:s28], [sflag:$0x1] =	stream.indirect_vreg.gather [hbm4b:s3+s2], $0x80, v3, vm0, $0xb8;
	[tilespmem:$0x8080] =	vst v63  }
0x116: {  	v3 =	vld [tilespmem:$0x70];
	_ =	sdelay $0x4  }
0x117: {  	v55 =	vshll.u32 v3, $0x1  }
0x118: {  	v3 =	vand.u32 $0x7, v3;
	v4 =	vand.u32 $0xFFFFFFF0, v55  }
0x119: {  	v3 =	vor.u32 v3, v4  }
0x11a: {  	v4 =	vperm.xlane v3, v0;
	_ =	sdelay $0x1  }
0x11b: {  	v3 =	vperm.xlane v3, v2;
	v4 =	vadd.s32 v1, v4;
	_ =	sdelay $0x1  }
0x11c: {  	v3 =	vadd.s32 v1, v3;
	_ =	sdelay $0x2  }
0x11d: {  	[tilespmem:s29], [sflag:$0x1] =	stream.indirect_vreg.gather [hbm4b:s3+s2], $0x80, v4, vm0, $0xb8;
	[tilespmem:$0x8080] =	vst v63  }
0x11e: {  	_ = 	snop  }
0x11f: {  	[tilespmem:s30], [sflag:$0x1] =	stream.indirect_vreg.gather [hbm4b:s3+s2], $0x80, v3, vm0, $0xb8;
	[tilespmem:$0x8080] =	vst v63  }
0x120: {  	_ =	swait.ge [sflag:s31], $0x8000  }
0x121: {  	[sflag:s31] =	ssyncset.done $0x0  }
0x122: {  	[sflag:s31] =	ssyncadd.s32 $0xFFFF8000  }
0x123: {  	[hbm4b:s9+s2] =	stream.linear.scatter [tilespmem:s14], [sflag:$0x2], $0x8000, $0x38;
	[tilespmem:$0x8080] =	vst v63  }
0x124: {  	_ =	swait.ge [sflag:s13], $0x8000  }
0x125: {  	[sflag:s13] =	ssyncset.done $0x0  }
0x126: {  	[sflag:s13] =	ssyncadd.s32 $0xFFFF8000  }
0x127: {  	[tilespmem:s2], [sflag:$0x2] =	stream.linear.gather [hbm4b:s10+s2], $0x80, $0x38;
	[tilespmem:$0x8080] =	vst v63  }
0x128: {  	_ =	swait.ge [sflag:s13], $0x80  }
0x129: {  	[sflag:s13] =	ssyncset.done $0x0  }
0x12a: {  	[sflag:s13] =	ssyncadd.s32 $0xFFFFFF80  }
0x12b: {  	v3 =	vld [tilespmem:$0x0];
	_ =	sdelay $0x4  }
0x12c: {  	v56 =	vshll.u32 v3, $0x1  }
0x12d: {  	v3 =	vand.u32 $0x7, v3;
	v4 =	vand.u32 $0xFFFFFFF0, v56  }
0x12e: {  	v3 =	vor.u32 v3, v4  }
0x12f: {  	v4 =	vperm.xlane v3, v0;
	_ =	sdelay $0x1  }
0x130: {  	v3 =	vperm.xlane v3, v2;
	v4 =	vadd.s32 v1, v4;
	_ =	sdelay $0x1  }
0x131: {  	v3 =	vadd.s32 v1, v3;
	_ =	sdelay $0x2  }
0x132: {  	[tilespmem:s14], [sflag:$0x1] =	stream.indirect_vreg.gather [hbm4b:s3+s2], $0x80, v4, vm0, $0xb8;
	[tilespmem:$0x8080] =	vst v63  }
0x133: {  	_ = 	snop  }
0x134: {  	[tilespmem:s15], [sflag:$0x1] =	stream.indirect_vreg.gather [hbm4b:s3+s2], $0x80, v3, vm0, $0xb8;
	[tilespmem:$0x8080] =	vst v63  }
0x135: {  	v3 =	vld [tilespmem:$0x10];
	_ =	sdelay $0x4  }
0x136: {  	v57 =	vshll.u32 v3, $0x1  }
0x137: {  	v3 =	vand.u32 $0x7, v3;
	v4 =	vand.u32 $0xFFFFFFF0, v57  }
0x138: {  	v3 =	vor.u32 v3, v4  }
0x139: {  	v4 =	vperm.xlane v3, v0;
	_ =	sdelay $0x1  }
0x13a: {  	v3 =	vperm.xlane v3, v2;
	v4 =	vadd.s32 v1, v4;
	_ =	sdelay $0x1  }
0x13b: {  	v3 =	vadd.s32 v1, v3;
	_ =	sdelay $0x2  }
0x13c: {  	[tilespmem:s16], [sflag:$0x1] =	stream.indirect_vreg.gather [hbm4b:s3+s2], $0x80, v4, vm0, $0xb8;
	[tilespmem:$0x8080] =	vst v63  }
0x13d: {  	_ = 	snop  }
0x13e: {  	[tilespmem:s17], [sflag:$0x1] =	stream.indirect_vreg.gather [hbm4b:s3+s2], $0x80, v3, vm0, $0xb8;
	[tilespmem:$0x8080] =	vst v63  }
0x13f: {  	v3 =	vld [tilespmem:$0x20];
	_ =	sdelay $0x4  }
0x140: {  	v58 =	vshll.u32 v3, $0x1  }
0x141: {  	v3 =	vand.u32 $0x7, v3;
	v4 =	vand.u32 $0xFFFFFFF0, v58  }
0x142: {  	v3 =	vor.u32 v3, v4  }
0x143: {  	v4 =	vperm.xlane v3, v0;
	_ =	sdelay $0x1  }
0x144: {  	v3 =	vperm.xlane v3, v2;
	v4 =	vadd.s32 v1, v4;
	_ =	sdelay $0x1  }
0x145: {  	v3 =	vadd.s32 v1, v3;
	_ =	sdelay $0x2  }
0x146: {  	[tilespmem:s18], [sflag:$0x1] =	stream.indirect_vreg.gather [hbm4b:s3+s2], $0x80, v4, vm0, $0xb8;
	[tilespmem:$0x8080] =	vst v63  }
0x147: {  	_ = 	snop  }
0x148: {  	[tilespmem:s19], [sflag:$0x1] =	stream.indirect_vreg.gather [hbm4b:s3+s2], $0x80, v3, vm0, $0xb8;
	[tilespmem:$0x8080] =	vst v63  }
0x149: {  	v3 =	vld [tilespmem:$0x30];
	_ =	sdelay $0x4  }
0x14a: {  	v59 =	vshll.u32 v3, $0x1  }
0x14b: {  	v3 =	vand.u32 $0x7, v3;
	v4 =	vand.u32 $0xFFFFFFF0, v59  }
0x14c: {  	v3 =	vor.u32 v3, v4  }
0x14d: {  	v4 =	vperm.xlane v3, v0;
	_ =	sdelay $0x1  }
0x14e: {  	v3 =	vperm.xlane v3, v2;
	v4 =	vadd.s32 v1, v4;
	_ =	sdelay $0x1  }
0x14f: {  	v3 =	vadd.s32 v1, v3;
	_ =	sdelay $0x2  }
0x150: {  	[tilespmem:s20], [sflag:$0x1] =	stream.indirect_vreg.gather [hbm4b:s3+s2], $0x80, v4, vm0, $0xb8;
	[tilespmem:$0x8080] =	vst v63  }
0x151: {  	_ = 	snop  }
0x152: {  	[tilespmem:s21], [sflag:$0x1] =	stream.indirect_vreg.gather [hbm4b:s3+s2], $0x80, v3, vm0, $0xb8;
	[tilespmem:$0x8080] =	vst v63  }
0x153: {  	v3 =	vld [tilespmem:$0x40];
	_ =	sdelay $0x4  }
0x154: {  	v60 =	vshll.u32 v3, $0x1  }
0x155: {  	v3 =	vand.u32 $0x7, v3;
	v4 =	vand.u32 $0xFFFFFFF0, v60  }
0x156: {  	v3 =	vor.u32 v3, v4  }
0x157: {  	v4 =	vperm.xlane v3, v0;
	_ =	sdelay $0x1  }
0x158: {  	v3 =	vperm.xlane v3, v2;
	v4 =	vadd.s32 v1, v4;
	_ =	sdelay $0x1  }
0x159: {  	v3 =	vadd.s32 v1, v3;
	_ =	sdelay $0x2  }
0x15a: {  	[tilespmem:s22], [sflag:$0x1] =	stream.indirect_vreg.gather [hbm4b:s3+s2], $0x80, v4, vm0, $0xb8;
	[tilespmem:$0x8080] =	vst v63  }
0x15b: {  	_ = 	snop  }
0x15c: {  	[tilespmem:s23], [sflag:$0x1] =	stream.indirect_vreg.gather [hbm4b:s3+s2], $0x80, v3, vm0, $0xb8;
	[tilespmem:$0x8080] =	vst v63  }
0x15d: {  	v3 =	vld [tilespmem:$0x50];
	_ =	sdelay $0x4  }
0x15e: {  	v61 =	vshll.u32 v3, $0x1  }
0x15f: {  	v3 =	vand.u32 $0x7, v3;
	v4 =	vand.u32 $0xFFFFFFF0, v61  }
0x160: {  	v3 =	vor.u32 v3, v4  }
0x161: {  	v4 =	vperm.xlane v3, v0;
	_ =	sdelay $0x1  }
0x162: {  	v3 =	vperm.xlane v3, v2;
	v4 =	vadd.s32 v1, v4;
	_ =	sdelay $0x1  }
0x163: {  	v3 =	vadd.s32 v1, v3;
	_ =	sdelay $0x2  }
0x164: {  	[tilespmem:s24], [sflag:$0x1] =	stream.indirect_vreg.gather [hbm4b:s3+s2], $0x80, v4, vm0, $0xb8;
	[tilespmem:$0x8080] =	vst v63  }
0x165: {  	_ = 	snop  }
0x166: {  	[tilespmem:s25], [sflag:$0x1] =	stream.indirect_vreg.gather [hbm4b:s3+s2], $0x80, v3, vm0, $0xb8;
	[tilespmem:$0x8080] =	vst v63  }
0x167: {  	v3 =	vld [tilespmem:$0x60];
	_ =	sdelay $0x4  }
0x168: {  	v62 =	vshll.u32 v3, $0x1  }
0x169: {  	v3 =	vand.u32 $0x7, v3;
	v4 =	vand.u32 $0xFFFFFFF0, v62  }
0x16a: {  	v3 =	vor.u32 v3, v4  }
0x16b: {  	v4 =	vperm.xlane v3, v0;
	_ =	sdelay $0x1  }
0x16c: {  	v3 =	vperm.xlane v3, v2;
	v4 =	vadd.s32 v1, v4;
	_ =	sdelay $0x1  }
0x16d: {  	v3 =	vadd.s32 v1, v3;
	_ =	sdelay $0x2  }
0x16e: {  	[tilespmem:s26], [sflag:$0x1] =	stream.indirect_vreg.gather [hbm4b:s3+s2], $0x80, v4, vm0, $0xb8;
	[tilespmem:$0x8080] =	vst v63  }
0x16f: {  	_ = 	snop  }
0x170: {  	[tilespmem:s28], [sflag:$0x1] =	stream.indirect_vreg.gather [hbm4b:s3+s2], $0x80, v3, vm0, $0xb8;
	[tilespmem:$0x8080] =	vst v63  }
0x171: {  	v3 =	vld [tilespmem:$0x70];
	_ =	sdelay $0x4  }
0x172: {  	v63 =	vshll.u32 v3, $0x1  }
0x173: {  	v3 =	vand.u32 $0x7, v3;
	v4 =	vand.u32 $0xFFFFFFF0, v63  }
0x174: {  	v3 =	vor.u32 v3, v4  }
0x175: {  	v4 =	vperm.xlane v3, v0;
	_ =	sdelay $0x1  }
0x176: {  	v3 =	vperm.xlane v3, v2;
	v4 =	vadd.s32 v1, v4;
	_ =	sdelay $0x1  }
0x177: {  	v3 =	vadd.s32 v1, v3;
	_ =	sdelay $0x2  }
0x178: {  	[tilespmem:s29], [sflag:$0x1] =	stream.indirect_vreg.gather [hbm4b:s3+s2], $0x80, v4, vm0, $0xb8;
	[tilespmem:$0x8080] =	vst v63  }
0x179: {  	_ = 	snop  }
0x17a: {  	[tilespmem:s30], [sflag:$0x1] =	stream.indirect_vreg.gather [hbm4b:s3+s2], $0x80, v3, vm0, $0xb8;
	[tilespmem:$0x8080] =	vst v63  }
0x17b: {  	_ =	swait.ge [sflag:s31], $0x8000  }
0x17c: {  	p0 =	sne.s32 s12, $0x1;
	[sflag:s31] =	ssyncset.done $0x0  }
.Ltmp0:
0x17d: {  	[sflag:s31] =	ssyncadd.s32 $0xFFFF8000;
	(pc) =	sbr.rel @p0 .LBB2_1-.Ltmp0, $4  }
0x17e: {  	[hbm4b:s11+s2] =	stream.linear.scatter [tilespmem:s14], [sflag:$0x2], $0x8000, $0x38;
	[tilespmem:$0x8080] =	vst v63  }
0x17f: {  	_ =	swait.ge [sflag:s13], $0x8000  }
0x180: {  	[sflag:s13] =	ssyncset.done $0x0  }
0x181: {  	s12 =	sadd.s32 $0xFFFFFFFF, s12;
	[sflag:s13] =	ssyncadd.s32 $0xFFFF8000  }
0x182: {  	_ =	sfence.sel $0x180000  }
0x183: {  	[bflag:$0x0] =	sbarrier.arrive $0xFFFF  }
0x184: {  	p0 =	sne.s32 s1, $0x0;
	_ =	strace $0x90000047  }
0x185: {  	s0 =	sadd.s32 @!p0 $0x100000, s0;
	[bflag:$0x2] =	sbarrier.arrive $0xFFFF  }
0x186: {  	[sflag:s0] =	ssyncadd.tile.s32 @!p0 $0x1;
	_ =	shalt  }
.Lfunc_end2:
_tile_overlayer_lowered:
.L_overlay_start_2:
0x187: {  	(tag) =	ssettag $0x2  }
0x188: {  	s0 =	rddreg [dreg:$0x0];
	s2 =	stileid.u32  }
0x189: {  	s1 =	rddreg [dreg:$0x1];
	p0 =	sne.s32 s2, $0x0  }
0x18a: {  	s3 =	rddreg [dreg:$0x2];
	[bflag:$0x3] =	sbarrier.arrive $0xFFFF;
	s2 =	simm.s32 @!p0 $0x1C02  }
0x18b: {  	[timem:s3], [sflag:s2] =	dma.local @!p0 [hbm:s0], s1  }
0x18c: {  	s0 =	simm.s32 @!p0 $0x2  }
0x18d: {  	_ =	swait.ge @!p0 [sflag:s0], s1  }
0x18e: {  	s1 =	ssub.s32 @!p0 $0x0, s1;
	[sflag:s0] =	ssyncset.done @!p0 $0x0  }
0x18f: {  	[sflag:s0] =	ssyncadd.s32 @!p0 s1  }
0x190: {  	[bflag:$0x3] =	sbarrier.arrive $0xFFFF  }
0x191: {  	_ =	shalt  }

</sc_bundles>
